<compile_context>
chip_gen: v7x
topology: tpu7x:2x2x1
jax: 0.10.2.dev20260603
libtpu: 0.0.44.dev20260713+nightly
codegen_flags: <defaults>
</compile_context>

<pallas_src>
import functools

import numpy as np

import jax
import jax.numpy as jnp
from jax import lax
from jax.experimental import pallas as pl
from jax.experimental.pallas import tpu as pltpu
from jax.experimental.pallas import tpu_sc as plsc



def _make_sc_gather(V, M, B, D):
    info = plsc.get_sparse_core_info()
    NC, NS = info.num_cores, info.num_subcores
    NW = NC * NS
    BH = B // 2
    P = M * BH
    p_per_w = P // NW
    CHP = 64
    n_ch = p_per_w // CHP
    assert p_per_w % CHP == 0 and BH % CHP == 0
    mesh = plsc.VectorSubcoreMesh(core_axis_name="c", subcore_axis_name="s")

    @functools.partial(
        pl.kernel,
        mesh=mesh,
        out_type=jax.ShapeDtypeStruct((M, BH, 2 * D), jnp.float32),
        compiler_params=pltpu.CompilerParams(use_tc_tiling_on_sc=False),
        scratch_types=[
            pltpu.VMEM((2 * p_per_w,), jnp.int32),
            pltpu.VMEM((2, 2, CHP, D), jnp.float32),
            pltpu.SemaphoreType.DMA,
        ],
    )
    def gather_k(idx_hbm, table_hbm, out_hbm, idx_v, rows_v, sem):
        wid = lax.axis_index("s") * NC + lax.axis_index("c")
        base = wid * 2 * p_per_w
        pltpu.sync_copy(idx_hbm.at[pl.ds(base, 2 * p_per_w)], idx_v)

        def start(c):
            buf = rows_v.at[lax.rem(c, 2)]
            pltpu.async_copy(
                table_hbm.at[idx_v.at[pl.ds(c * 2 * CHP, CHP)]],
                buf.at[0],
                sem,
            )
            pltpu.async_copy(
                table_hbm.at[idx_v.at[pl.ds(c * 2 * CHP + CHP, CHP)]],
                buf.at[1],
                sem,
            )

        def drain_flush(c):
            buf = rows_v.at[lax.rem(c, 2)]
            pltpu.make_async_copy(
                table_hbm.at[idx_v.at[pl.ds(c * 2 * CHP, CHP)]], buf.at[0], sem
            ).wait()
            pltpu.make_async_copy(
                table_hbm.at[idx_v.at[pl.ds(c * 2 * CHP, CHP)]], buf.at[1], sem
            ).wait()
            p0 = wid * p_per_w + c * CHP
            m_c = lax.div(p0, BH)
            j0 = lax.rem(p0, BH)
            pltpu.sync_copy(buf.at[0], out_hbm.at[m_c, pl.ds(j0, CHP), pl.ds(0, D)])
            pltpu.sync_copy(buf.at[1], out_hbm.at[m_c, pl.ds(j0, CHP), pl.ds(D, D)])

        start(0)

        def body(c, carry):
            @pl.when(c + 1 < n_ch)
            def _():
                start(c + 1)

            drain_flush(c)
            return carry

        lax.fori_loop(0, n_ch, body, 0)

    return gather_k



def _attn_body(m_ref, wbd_ref, b1b_ref, w2bd_ref, o_ref, s_ref):
    M = m_ref.shape[0]
    D = o_ref.shape[1] // 2
    wbd = wbd_ref[...]
    b1b = b1b_ref[...]
    w2bd = w2bd_ref[...]
    for m in range(M):
        h = jnp.maximum(
            jnp.dot(m_ref[m], wbd, preferred_element_type=jnp.float32) + b1b, 0.0
        )
        s2 = jnp.dot(h, w2bd, preferred_element_type=jnp.float32)
        s_ref[:, m : m + 1] = s2[:, 0:1]
        s_ref[:, M + m : M + m + 1] = s2[:, 1:2]
    sc = s_ref[...]
    sc0 = sc[:, :M]
    sc1 = sc[:, M:]
    e0 = jnp.exp(sc0 - jnp.max(sc0, axis=1, keepdims=True))
    att0 = e0 / jnp.sum(e0, axis=1, keepdims=True)
    e1 = jnp.exp(sc1 - jnp.max(sc1, axis=1, keepdims=True))
    att1 = e1 / jnp.sum(e1, axis=1, keepdims=True)
    G = m_ref.shape[1]
    lane = lax.broadcasted_iota(jnp.int32, (G, 2 * D), 1)
    low = lane < D
    acc = jnp.zeros((G, 2 * D), jnp.float32)
    for m in range(M):
        a2 = jnp.where(low, att0[:, m : m + 1], att1[:, m : m + 1])
        acc = acc + a2 * m_ref[m]
    o_ref[...] = acc


def kernel(nodes, to_neighs, u2e_weight, ge_w1, ge_b1, ge_w2, ge_b2):
    B, M = nodes.shape
    V, D = u2e_weight.shape
    H = ge_w1.shape[1]

    BH = B // 2
    nt = nodes.T.astype(jnp.int32)
    lo = nt[:, :BH].reshape(M, BH // 64, 1, 64)
    hi = nt[:, BH:].reshape(M, BH // 64, 1, 64)
    idx = jnp.concatenate([lo, hi], axis=2).reshape(M * B)
    staged = _make_sc_gather(V, M, B, D)(idx, u2e_weight)

    z = jnp.zeros_like(ge_w1)
    wbd = jnp.concatenate(
        [jnp.concatenate([ge_w1, z], axis=1), jnp.concatenate([z, ge_w1], axis=1)],
        axis=0,
    )
    b1b = jnp.concatenate([ge_b1, ge_b1]).reshape(1, 2 * H)
    w2c = ge_w2[:, 0]
    w2bd = jnp.zeros((2 * H, 2), jnp.float32)
    w2bd = w2bd.at[:H, 0].set(w2c).at[H:, 1].set(w2c)

    Gp = 512
    grid = (B // 2 // Gp,)
    out2 = pl.pallas_call(
        _attn_body,
        grid=grid,
        in_specs=[
            pl.BlockSpec((M, Gp, 2 * D), lambda i: (0, i, 0)),
            pl.BlockSpec((2 * D, 2 * H), lambda i: (0, 0)),
            pl.BlockSpec((1, 2 * H), lambda i: (0, 0)),
            pl.BlockSpec((2 * H, 2), lambda i: (0, 0)),
        ],
        out_specs=pl.BlockSpec((Gp, 2 * D), lambda i: (i, 0)),
        out_shape=jax.ShapeDtypeStruct((B // 2, 2 * D), jnp.float32),
        scratch_shapes=[pltpu.VMEM((Gp, 2 * M), jnp.float32)],
    )(staged, wbd, b1b, w2bd)
    return jnp.concatenate([out2[:, :D], out2[:, D:]], axis=0)

# --- scband reference (transcript-rebuilt; emitter-appended) ---
"""Pipeline reference for scband-social-aggregator-51092930953377 (READ-ONLY COPY).

The authoritative reference and input builder live on the scoring server;
editing this copy changes nothing except your own understanding.
"""

import jax, jax.numpy as jnp
import numpy as np

NUM_USERS = 100000
EMBED_DIM = 64
BATCH = 16384
MEMBERS = 20

def setup_inputs(seed: int = 0) -> dict:
    key = jax.random.key(seed)
    k1, k2, k3, k4, k5, k6, k7 = jax.random.split(key, 7)
    nodes = jax.random.randint(k1, (BATCH, MEMBERS), 0, NUM_USERS, dtype=jnp.int64) if jax.config.jax_enable_x64 else jax.random.randint(k1, (BATCH, MEMBERS), 0, NUM_USERS, dtype=jnp.int32)
    to_neighs = jax.random.randint(k2, (BATCH, MEMBERS), 0, NUM_USERS, dtype=nodes.dtype)
    u2e_weight = jax.random.normal(k3, (NUM_USERS, EMBED_DIM), dtype=jnp.float32) * 0.02
    # Group_Embedding params: attention MLP embed_dim -> 16 -> 1 (mirrors att_linear1/att_linear2 sizing)
    ge_w1 = jax.random.normal(k4, (EMBED_DIM, 16), dtype=jnp.float32) * (1.0 / np.sqrt(EMBED_DIM))
    ge_b1 = jnp.zeros((16,), dtype=jnp.float32)
    ge_w2 = jax.random.normal(k5, (16, 1), dtype=jnp.float32) * 0.25
    ge_b2 = jnp.zeros((1,), dtype=jnp.float32)
    return {"nodes": nodes, "to_neighs": to_neighs, "u2e_weight": u2e_weight,
            "ge_w1": ge_w1, "ge_b1": ge_b1, "ge_w2": ge_w2, "ge_b2": ge_b2}

def reference(nodes, to_neighs, u2e_weight, ge_w1, ge_b1, ge_w2, ge_b2):
    # Vectorized version of the python loop: for each group i,
    #   members_embed = u2e.weight[nodes[i]]            (gather)
    #   user_p = Group_embedding(members_embed)          (attention-weighted sum over members)
    #   embed_matrix[i] = user_p
    members = jnp.take(u2e_weight, nodes, axis=0)        # [B, M, D] gather
    h = jax.nn.relu(members @ ge_w1 + ge_b1)             # [B, M, 16]
    scores = h @ ge_w2 + ge_b2                           # [B, M, 1]
    att = jax.nn.softmax(scores, axis=1)                 # softmax over members (dim 0 of each group)
    to_feats = jnp.sum(att * members, axis=1)            # [B, D]
    return to_feats

if __name__ == "__main__":
    import jax
    _d = setup_inputs()
    print(jax.jit(kernel)(*tuple(_d.values())))

</pallas_src>

<mosaic_0001>
#map = affine_map<(d0, d1) -> (0)>
#map1 = affine_map<(d0, d1) -> (0, 0)>
#map2 = affine_map<(d0, d1) -> (0, 0, 0)>
module attributes {stable_mosaic.version = 14 : i64} {
  func.func @gather_k(%arg0: i32, %arg1: i32, %arg2: memref<327680xi32, #tpu.memory_space<hbm>>, %arg3: memref<100000x64xf32, #tpu.memory_space<hbm>>, %arg4: memref<20x8192x128xf32, #tpu.memory_space<hbm>>, %arg5: memref<10240xi32, #tpu.memory_space<vmem>>, %arg6: memref<2x2x64x64xf32, #tpu.memory_space<vmem>>, %arg7: memref<!tpu.dma_semaphore, #tpu.memory_space<semaphore_mem>>) attributes {dimension_semantics = [#tpu.dimension_semantics<core_parallel>, #tpu.dimension_semantics<subcore_parallel>], iteration_bounds = array<i64: 2, 16>, scalar_prefetch = 0 : i64, scratch_operands = 3 : i64, tpu.core_type = #tpu.core_type<sc_vector_subcore>, window_params = [{transform_indices = #map}, {transform_indices = #map1}, {transform_indices = #map2}]} {
    %mul3A = arith.constant 2 : i32
    %mul3A_0 = arith.muli %arg1, %mul3A : i32
    %add3A = arith.addi %mul3A_0, %arg0 : i32
    %mul3A_1 = arith.constant 2 : i32
    %mul3A_2 = arith.muli %add3A, %mul3A_1 : i32
    %mul3A_3 = arith.constant 5120 : i32
    %mul3A_4 = arith.muli %mul3A_2, %mul3A_3 : i32
    "tpu.region"() ({
      %run_scoped3A = tpu.sem_alloc : memref<!tpu.dma_semaphore, #tpu.memory_space<semaphore_mem>>
      %dma_start3A_41 = tpu.memref_slice %arg2[%mul3A_4] : memref<327680xi32, #tpu.memory_space<hbm>> -> memref<10240xi32, #tpu.memory_space<hbm>>
      %dma_start3A_42 = tpu.memref_slice %arg2[%mul3A_4] : memref<327680xi32, #tpu.memory_space<hbm>> -> memref<10240xi32, #tpu.memory_space<hbm>>
      tpu.enqueue_dma source(%dma_start3A_42 : memref<10240xi32, #tpu.memory_space<hbm>>) target(%arg5 : memref<10240xi32, #tpu.memory_space<vmem>>) target_semaphore(%run_scoped3A : memref<!tpu.dma_semaphore, #tpu.memory_space<semaphore_mem>>)
      %dma_wait3A = tpu.memref_slice %arg2[%mul3A_4] : memref<327680xi32, #tpu.memory_space<hbm>> -> memref<10240xi32, #tpu.memory_space<hbm>>
      %dma_wait3A_43 = tpu.memref_slice %arg2[%mul3A_4] : memref<327680xi32, #tpu.memory_space<hbm>> -> memref<10240xi32, #tpu.memory_space<hbm>>
      tpu.wait_dma2 semaphore(%run_scoped3A : memref<!tpu.dma_semaphore, #tpu.memory_space<semaphore_mem>>) src(%dma_wait3A_43 : memref<10240xi32, #tpu.memory_space<hbm>>) dst(%arg5 : memref<10240xi32, #tpu.memory_space<vmem>>)
      tpu.yield
    }) : () -> ()
    %rem3A = arith.constant 0 : i32
    %rem3A_5 = arith.constant 2 : i32
    %rem3A_6 = arith.remsi %rem3A, %rem3A_5 : i32
    %dma_start3A = arith.constant 0 : i32
    %dma_start3A_7 = arith.constant 0 : i32
    %dma_start3A_8 = arith.constant 0 : i32
    %dma_start3A_9 = arith.constant 0 : i32
    %dma_start3A_10 = tpu.memref_slice %arg6[%rem3A_6, %dma_start3A_7, %dma_start3A_8, %dma_start3A_9] : memref<2x2x64x64xf32, #tpu.memory_space<vmem>> -> memref<1x2x64x64xf32, #tpu.memory_space<vmem>>
    %dma_start3A_11 = tpu.memref_squeeze %dma_start3A_10 : memref<1x2x64x64xf32, #tpu.memory_space<vmem>> -> memref<2x64x64xf32, #tpu.memory_space<vmem>>
    %dma_start3A_12 = arith.constant 0 : i32
    %dma_start3A_13 = arith.constant 0 : i32
    %dma_start3A_14 = tpu.memref_slice %dma_start3A_11[%dma_start3A, %dma_start3A_12, %dma_start3A_13] : memref<2x64x64xf32, #tpu.memory_space<vmem>> -> memref<1x64x64xf32, #tpu.memory_space<vmem>>
    %dma_start3A_15 = tpu.memref_squeeze %dma_start3A_14 : memref<1x64x64xf32, #tpu.memory_space<vmem>> -> memref<64x64xf32, #tpu.memory_space<vmem>>
    %dma_start3A_16 = arith.constant 0 : i32
    %dma_start3A_17 = tpu.memref_slice %arg5[%dma_start3A_16] : memref<10240xi32, #tpu.memory_space<vmem>> -> memref<64xi32, #tpu.memory_space<vmem>>
    %dma_start3A_18 = arith.constant 0 : i32
    %dma_start3A_19 = arith.constant 0 : i32
    %dma_start3A_20 = tpu.memref_slice %arg3[%dma_start3A_18, %dma_start3A_19] : memref<100000x64xf32, #tpu.memory_space<hbm>> -> memref<100000x64xf32, #tpu.memory_space<hbm>>
    tpu.enqueue_indirect_dma source(%dma_start3A_20 : memref<100000x64xf32, #tpu.memory_space<hbm>>) target(%dma_start3A_15 : memref<64x64xf32, #tpu.memory_space<vmem>>) offsets(%dma_start3A_17 : memref<64xi32, #tpu.memory_space<vmem>>) semaphore(%arg7 : memref<!tpu.dma_semaphore, #tpu.memory_space<semaphore_mem>>)
    %dma_start3A_21 = arith.constant 1 : i32
    %dma_start3A_22 = arith.constant 0 : i32
    %dma_start3A_23 = arith.constant 0 : i32
    %dma_start3A_24 = arith.constant 0 : i32
    %dma_start3A_25 = tpu.memref_slice %arg6[%rem3A_6, %dma_start3A_22, %dma_start3A_23, %dma_start3A_24] : memref<2x2x64x64xf32, #tpu.memory_space<vmem>> -> memref<1x2x64x64xf32, #tpu.memory_space<vmem>>
    %dma_start3A_26 = tpu.memref_squeeze %dma_start3A_25 : memref<1x2x64x64xf32, #tpu.memory_space<vmem>> -> memref<2x64x64xf32, #tpu.memory_space<vmem>>
    %dma_start3A_27 = arith.constant 0 : i32
    %dma_start3A_28 = arith.constant 0 : i32
    %dma_start3A_29 = tpu.memref_slice %dma_start3A_26[%dma_start3A_21, %dma_start3A_27, %dma_start3A_28] : memref<2x64x64xf32, #tpu.memory_space<vmem>> -> memref<1x64x64xf32, #tpu.memory_space<vmem>>
    %dma_start3A_30 = tpu.memref_squeeze %dma_start3A_29 : memref<1x64x64xf32, #tpu.memory_space<vmem>> -> memref<64x64xf32, #tpu.memory_space<vmem>>
    %dma_start3A_31 = arith.constant 64 : i32
    %dma_start3A_32 = tpu.memref_slice %arg5[%dma_start3A_31] : memref<10240xi32, #tpu.memory_space<vmem>> -> memref<64xi32, #tpu.memory_space<vmem>>
    %dma_start3A_33 = arith.constant 0 : i32
    %dma_start3A_34 = arith.constant 0 : i32
    %dma_start3A_35 = tpu.memref_slice %arg3[%dma_start3A_33, %dma_start3A_34] : memref<100000x64xf32, #tpu.memory_space<hbm>> -> memref<100000x64xf32, #tpu.memory_space<hbm>>
    tpu.enqueue_indirect_dma source(%dma_start3A_35 : memref<100000x64xf32, #tpu.memory_space<hbm>>) target(%dma_start3A_30 : memref<64x64xf32, #tpu.memory_space<vmem>>) offsets(%dma_start3A_32 : memref<64xi32, #tpu.memory_space<vmem>>) semaphore(%arg7 : memref<!tpu.dma_semaphore, #tpu.memory_space<semaphore_mem>>)
    %scan3A = arith.constant 0 : i32
    %scan3A_36 = arith.constant 0 : i32
    %scan3A_37 = arith.constant 80 : i32
    %scan3A_38 = arith.addi %scan3A_36, %scan3A_37 : i32
    %scan3A_39 = arith.constant 1 : i32
    scf.for %scan3A_41 = %scan3A_36 to %scan3A_38 step %scan3A_39  : i32 {
      %add3A_42 = arith.constant 1 : i32
      %add3A_43 = arith.addi %scan3A_41, %add3A_42 : i32
      %lt3A = arith.constant 80 : i32
      %lt3A_44 = arith.cmpi slt, %add3A_43, %lt3A : i32
      %convert_element_type3A = arith.extui %lt3A_44 : i1 to i32
      %cond3A = arith.constant 0 : i32
      %cond3A_45 = arith.cmpi ne, %convert_element_type3A, %cond3A : i32
      scf.if %cond3A_45 {
        %add3A_92 = arith.constant 1 : i32
        %add3A_93 = arith.addi %scan3A_41, %add3A_92 : i32
        %rem3A_94 = arith.constant 2 : i32
        %rem3A_95 = arith.remsi %add3A_93, %rem3A_94 : i32
        %mul3A_96 = arith.constant 2 : i32
        %mul3A_97 = arith.muli %add3A_93, %mul3A_96 : i32
        %mul3A_98 = arith.constant 64 : i32
        %mul3A_99 = arith.muli %mul3A_97, %mul3A_98 : i32
        %dma_start3A_100 = arith.constant 0 : i32
        %dma_start3A_101 = arith.constant 0 : i32
        %dma_start3A_102 = arith.constant 0 : i32
        %dma_start3A_103 = arith.constant 0 : i32
        %dma_start3A_104 = tpu.memref_slice %arg6[%rem3A_95, %dma_start3A_101, %dma_start3A_102, %dma_start3A_103] : memref<2x2x64x64xf32, #tpu.memory_space<vmem>> -> memref<1x2x64x64xf32, #tpu.memory_space<vmem>>
        %dma_start3A_105 = tpu.memref_squeeze %dma_start3A_104 : memref<1x2x64x64xf32, #tpu.memory_space<vmem>> -> memref<2x64x64xf32, #tpu.memory_space<vmem>>
        %dma_start3A_106 = arith.constant 0 : i32
        %dma_start3A_107 = arith.constant 0 : i32
        %dma_start3A_108 = tpu.memref_slice %dma_start3A_105[%dma_start3A_100, %dma_start3A_106, %dma_start3A_107] : memref<2x64x64xf32, #tpu.memory_space<vmem>> -> memref<1x64x64xf32, #tpu.memory_space<vmem>>
        %dma_start3A_109 = tpu.memref_squeeze %dma_start3A_108 : memref<1x64x64xf32, #tpu.memory_space<vmem>> -> memref<64x64xf32, #tpu.memory_space<vmem>>
        %dma_start3A_110 = tpu.memref_slice %arg5[%mul3A_99] : memref<10240xi32, #tpu.memory_space<vmem>> -> memref<64xi32, #tpu.memory_space<vmem>>
        %dma_start3A_111 = arith.constant 0 : i32
        %dma_start3A_112 = arith.constant 0 : i32
        %dma_start3A_113 = tpu.memref_slice %arg3[%dma_start3A_111, %dma_start3A_112] : memref<100000x64xf32, #tpu.memory_space<hbm>> -> memref<100000x64xf32, #tpu.memory_space<hbm>>
        tpu.enqueue_indirect_dma source(%dma_start3A_113 : memref<100000x64xf32, #tpu.memory_space<hbm>>) target(%dma_start3A_109 : memref<64x64xf32, #tpu.memory_space<vmem>>) offsets(%dma_start3A_110 : memref<64xi32, #tpu.memory_space<vmem>>) semaphore(%arg7 : memref<!tpu.dma_semaphore, #tpu.memory_space<semaphore_mem>>)
        %mul3A_114 = arith.constant 2 : i32
        %mul3A_115 = arith.muli %add3A_93, %mul3A_114 : i32
        %mul3A_116 = arith.constant 64 : i32
        %mul3A_117 = arith.muli %mul3A_115, %mul3A_116 : i32
        %add3A_118 = arith.constant 64 : i32
        %add3A_119 = arith.addi %mul3A_117, %add3A_118 : i32
        %dma_start3A_120 = arith.constant 1 : i32
        %dma_start3A_121 = arith.constant 0 : i32
        %dma_start3A_122 = arith.constant 0 : i32
        %dma_start3A_123 = arith.constant 0 : i32
        %dma_start3A_124 = tpu.memref_slice %arg6[%rem3A_95, %dma_start3A_121, %dma_start3A_122, %dma_start3A_123] : memref<2x2x64x64xf32, #tpu.memory_space<vmem>> -> memref<1x2x64x64xf32, #tpu.memory_space<vmem>>
        %dma_start3A_125 = tpu.memref_squeeze %dma_start3A_124 : memref<1x2x64x64xf32, #tpu.memory_space<vmem>> -> memref<2x64x64xf32, #tpu.memory_space<vmem>>
        %dma_start3A_126 = arith.constant 0 : i32
        %dma_start3A_127 = arith.constant 0 : i32
        %dma_start3A_128 = tpu.memref_slice %dma_start3A_125[%dma_start3A_120, %dma_start3A_126, %dma_start3A_127] : memref<2x64x64xf32, #tpu.memory_space<vmem>> -> memref<1x64x64xf32, #tpu.memory_space<vmem>>
        %dma_start3A_129 = tpu.memref_squeeze %dma_start3A_128 : memref<1x64x64xf32, #tpu.memory_space<vmem>> -> memref<64x64xf32, #tpu.memory_space<vmem>>
        %dma_start3A_130 = tpu.memref_slice %arg5[%add3A_119] : memref<10240xi32, #tpu.memory_space<vmem>> -> memref<64xi32, #tpu.memory_space<vmem>>
        %dma_start3A_131 = arith.constant 0 : i32
        %dma_start3A_132 = arith.constant 0 : i32
        %dma_start3A_133 = tpu.memref_slice %arg3[%dma_start3A_131, %dma_start3A_132] : memref<100000x64xf32, #tpu.memory_space<hbm>> -> memref<100000x64xf32, #tpu.memory_space<hbm>>
        tpu.enqueue_indirect_dma source(%dma_start3A_133 : memref<100000x64xf32, #tpu.memory_space<hbm>>) target(%dma_start3A_129 : memref<64x64xf32, #tpu.memory_space<vmem>>) offsets(%dma_start3A_130 : memref<64xi32, #tpu.memory_space<vmem>>) semaphore(%arg7 : memref<!tpu.dma_semaphore, #tpu.memory_space<semaphore_mem>>)
      } else {
      }
      %rem3A_46 = arith.constant 2 : i32
      %rem3A_47 = arith.remsi %scan3A_41, %rem3A_46 : i32
      %mul3A_48 = arith.constant 2 : i32
      %mul3A_49 = arith.muli %scan3A_41, %mul3A_48 : i32
      %mul3A_50 = arith.constant 64 : i32
      %mul3A_51 = arith.muli %mul3A_49, %mul3A_50 : i32
      %dma_wait3A = arith.constant 0 : i32
      %dma_wait3A_52 = arith.constant 0 : i32
      %dma_wait3A_53 = arith.constant 0 : i32
      %dma_wait3A_54 = arith.constant 0 : i32
      %dma_wait3A_55 = tpu.memref_slice %arg6[%rem3A_47, %dma_wait3A_52, %dma_wait3A_53, %dma_wait3A_54] : memref<2x2x64x64xf32, #tpu.memory_space<vmem>> -> memref<1x2x64x64xf32, #tpu.memory_space<vmem>>
      %dma_wait3A_56 = tpu.memref_squeeze %dma_wait3A_55 : memref<1x2x64x64xf32, #tpu.memory_space<vmem>> -> memref<2x64x64xf32, #tpu.memory_space<vmem>>
      %dma_wait3A_57 = arith.constant 0 : i32
      %dma_wait3A_58 = arith.constant 0 : i32
      %dma_wait3A_59 = tpu.memref_slice %dma_wait3A_56[%dma_wait3A, %dma_wait3A_57, %dma_wait3A_58] : memref<2x64x64xf32, #tpu.memory_space<vmem>> -> memref<1x64x64xf32, #tpu.memory_space<vmem>>
      %dma_wait3A_60 = tpu.memref_squeeze %dma_wait3A_59 : memref<1x64x64xf32, #tpu.memory_space<vmem>> -> memref<64x64xf32, #tpu.memory_space<vmem>>
      %dma_wait3A_61 = tpu.memref_slice %arg5[%mul3A_51] : memref<10240xi32, #tpu.memory_space<vmem>> -> memref<64xi32, #tpu.memory_space<vmem>>
      %dma_wait3A_62 = arith.constant 0 : i32
      %dma_wait3A_63 = arith.constant 0 : i32
      %dma_wait3A_64 = tpu.memref_slice %arg3[%dma_wait3A_62, %dma_wait3A_63] : memref<100000x64xf32, #tpu.memory_space<hbm>> -> memref<100000x64xf32, #tpu.memory_space<hbm>>
      tpu.wait_indirect_dma semaphore(%arg7 : memref<!tpu.dma_semaphore, #tpu.memory_space<semaphore_mem>>) src(%dma_wait3A_64 : memref<100000x64xf32, #tpu.memory_space<hbm>>) dst(%dma_wait3A_60 : memref<64x64xf32, #tpu.memory_space<vmem>>)
      %mul3A_65 = arith.constant 2 : i32
      %mul3A_66 = arith.muli %scan3A_41, %mul3A_65 : i32
      %mul3A_67 = arith.constant 64 : i32
      %mul3A_68 = arith.muli %mul3A_66, %mul3A_67 : i32
      %dma_wait3A_69 = arith.constant 1 : i32
      %dma_wait3A_70 = arith.constant 0 : i32
      %dma_wait3A_71 = arith.constant 0 : i32
      %dma_wait3A_72 = arith.constant 0 : i32
      %dma_wait3A_73 = tpu.memref_slice %arg6[%rem3A_47, %dma_wait3A_70, %dma_wait3A_71, %dma_wait3A_72] : memref<2x2x64x64xf32, #tpu.memory_space<vmem>> -> memref<1x2x64x64xf32, #tpu.memory_space<vmem>>
      %dma_wait3A_74 = tpu.memref_squeeze %dma_wait3A_73 : memref<1x2x64x64xf32, #tpu.memory_space<vmem>> -> memref<2x64x64xf32, #tpu.memory_space<vmem>>
      %dma_wait3A_75 = arith.constant 0 : i32
      %dma_wait3A_76 = arith.constant 0 : i32
      %dma_wait3A_77 = tpu.memref_slice %dma_wait3A_74[%dma_wait3A_69, %dma_wait3A_75, %dma_wait3A_76] : memref<2x64x64xf32, #tpu.memory_space<vmem>> -> memref<1x64x64xf32, #tpu.memory_space<vmem>>
      %dma_wait3A_78 = tpu.memref_squeeze %dma_wait3A_77 : memref<1x64x64xf32, #tpu.memory_space<vmem>> -> memref<64x64xf32, #tpu.memory_space<vmem>>
      %dma_wait3A_79 = tpu.memref_slice %arg5[%mul3A_68] : memref<10240xi32, #tpu.memory_space<vmem>> -> memref<64xi32, #tpu.memory_space<vmem>>
      %dma_wait3A_80 = arith.constant 0 : i32
      %dma_wait3A_81 = arith.constant 0 : i32
      %dma_wait3A_82 = tpu.memref_slice %arg3[%dma_wait3A_80, %dma_wait3A_81] : memref<100000x64xf32, #tpu.memory_space<hbm>> -> memref<100000x64xf32, #tpu.memory_space<hbm>>
      tpu.wait_indirect_dma semaphore(%arg7 : memref<!tpu.dma_semaphore, #tpu.memory_space<semaphore_mem>>) src(%dma_wait3A_82 : memref<100000x64xf32, #tpu.memory_space<hbm>>) dst(%dma_wait3A_78 : memref<64x64xf32, #tpu.memory_space<vmem>>)
      %mul3A_83 = arith.constant 5120 : i32
      %mul3A_84 = arith.muli %add3A, %mul3A_83 : i32
      %mul3A_85 = arith.constant 64 : i32
      %mul3A_86 = arith.muli %scan3A_41, %mul3A_85 : i32
      %add3A_87 = arith.addi %mul3A_84, %mul3A_86 : i32
      %div3A = arith.constant 8192 : i32
      %div3A_88 = arith.divsi %add3A_87, %div3A : i32
      %rem3A_89 = arith.constant 8192 : i32
      %rem3A_90 = arith.remsi %add3A_87, %rem3A_89 : i32
      %run_scoped3A = arith.constant 0 : i32
      "tpu.region"() ({
        %run_scoped3A_92 = tpu.sem_alloc : memref<!tpu.dma_semaphore, #tpu.memory_space<semaphore_mem>>
        %dma_start3A_93 = arith.constant 0 : i32
        %dma_start3A_94 = arith.constant 0 : i32
        %dma_start3A_95 = arith.constant 0 : i32
        %dma_start3A_96 = tpu.memref_slice %arg6[%rem3A_47, %dma_start3A_93, %dma_start3A_94, %dma_start3A_95] : memref<2x2x64x64xf32, #tpu.memory_space<vmem>> -> memref<1x2x64x64xf32, #tpu.memory_space<vmem>>
        %dma_start3A_97 = tpu.memref_squeeze %dma_start3A_96 : memref<1x2x64x64xf32, #tpu.memory_space<vmem>> -> memref<2x64x64xf32, #tpu.memory_space<vmem>>
        %dma_start3A_98 = arith.constant 0 : i32
        %dma_start3A_99 = arith.constant 0 : i32
        %dma_start3A_100 = tpu.memref_slice %dma_start3A_97[%run_scoped3A, %dma_start3A_98, %dma_start3A_99] : memref<2x64x64xf32, #tpu.memory_space<vmem>> -> memref<1x64x64xf32, #tpu.memory_space<vmem>>
        %dma_start3A_101 = tpu.memref_squeeze %dma_start3A_100 : memref<1x64x64xf32, #tpu.memory_space<vmem>> -> memref<64x64xf32, #tpu.memory_space<vmem>>
        %dma_start3A_102 = arith.constant 0 : i32
        %dma_start3A_103 = tpu.memref_slice %arg4[%div3A_88, %rem3A_90, %dma_start3A_102] : memref<20x8192x128xf32, #tpu.memory_space<hbm>> -> memref<1x64x64xf32, #tpu.memory_space<hbm>>
        %dma_start3A_104 = tpu.memref_squeeze %dma_start3A_103 : memref<1x64x64xf32, #tpu.memory_space<hbm>> -> memref<64x64xf32, #tpu.memory_space<hbm>>
        %dma_start3A_105 = arith.constant 0 : i32
        %dma_start3A_106 = tpu.memref_slice %arg4[%div3A_88, %rem3A_90, %dma_start3A_105] : memref<20x8192x128xf32, #tpu.memory_space<hbm>> -> memref<1x64x64xf32, #tpu.memory_space<hbm>>
        %dma_start3A_107 = tpu.memref_squeeze %dma_start3A_106 : memref<1x64x64xf32, #tpu.memory_space<hbm>> -> memref<64x64xf32, #tpu.memory_space<hbm>>
        %dma_start3A_108 = arith.constant 0 : i32
        %dma_start3A_109 = arith.constant 0 : i32
        %dma_start3A_110 = arith.constant 0 : i32
        %dma_start3A_111 = tpu.memref_slice %arg6[%rem3A_47, %dma_start3A_108, %dma_start3A_109, %dma_start3A_110] : memref<2x2x64x64xf32, #tpu.memory_space<vmem>> -> memref<1x2x64x64xf32, #tpu.memory_space<vmem>>
        %dma_start3A_112 = tpu.memref_squeeze %dma_start3A_111 : memref<1x2x64x64xf32, #tpu.memory_space<vmem>> -> memref<2x64x64xf32, #tpu.memory_space<vmem>>
        %dma_start3A_113 = arith.constant 0 : i32
        %dma_start3A_114 = arith.constant 0 : i32
        %dma_start3A_115 = tpu.memref_slice %dma_start3A_112[%run_scoped3A, %dma_start3A_113, %dma_start3A_114] : memref<2x64x64xf32, #tpu.memory_space<vmem>> -> memref<1x64x64xf32, #tpu.memory_space<vmem>>
        %dma_start3A_116 = tpu.memref_squeeze %dma_start3A_115 : memref<1x64x64xf32, #tpu.memory_space<vmem>> -> memref<64x64xf32, #tpu.memory_space<vmem>>
        tpu.enqueue_dma source(%dma_start3A_116 : memref<64x64xf32, #tpu.memory_space<vmem>>) target(%dma_start3A_107 : memref<64x64xf32, #tpu.memory_space<hbm>>) target_semaphore(%run_scoped3A_92 : memref<!tpu.dma_semaphore, #tpu.memory_space<semaphore_mem>>)
        %dma_wait3A_117 = arith.constant 0 : i32
        %dma_wait3A_118 = arith.constant 0 : i32
        %dma_wait3A_119 = arith.constant 0 : i32
        %dma_wait3A_120 = tpu.memref_slice %arg6[%rem3A_47, %dma_wait3A_117, %dma_wait3A_118, %dma_wait3A_119] : memref<2x2x64x64xf32, #tpu.memory_space<vmem>> -> memref<1x2x64x64xf32, #tpu.memory_space<vmem>>
        %dma_wait3A_121 = tpu.memref_squeeze %dma_wait3A_120 : memref<1x2x64x64xf32, #tpu.memory_space<vmem>> -> memref<2x64x64xf32, #tpu.memory_space<vmem>>
        %dma_wait3A_122 = arith.constant 0 : i32
        %dma_wait3A_123 = arith.constant 0 : i32
        %dma_wait3A_124 = tpu.memref_slice %dma_wait3A_121[%run_scoped3A, %dma_wait3A_122, %dma_wait3A_123] : memref<2x64x64xf32, #tpu.memory_space<vmem>> -> memref<1x64x64xf32, #tpu.memory_space<vmem>>
        %dma_wait3A_125 = tpu.memref_squeeze %dma_wait3A_124 : memref<1x64x64xf32, #tpu.memory_space<vmem>> -> memref<64x64xf32, #tpu.memory_space<vmem>>
        %dma_wait3A_126 = arith.constant 0 : i32
        %dma_wait3A_127 = tpu.memref_slice %arg4[%div3A_88, %rem3A_90, %dma_wait3A_126] : memref<20x8192x128xf32, #tpu.memory_space<hbm>> -> memref<1x64x64xf32, #tpu.memory_space<hbm>>
        %dma_wait3A_128 = tpu.memref_squeeze %dma_wait3A_127 : memref<1x64x64xf32, #tpu.memory_space<hbm>> -> memref<64x64xf32, #tpu.memory_space<hbm>>
        %dma_wait3A_129 = arith.constant 0 : i32
        %dma_wait3A_130 = tpu.memref_slice %arg4[%div3A_88, %rem3A_90, %dma_wait3A_129] : memref<20x8192x128xf32, #tpu.memory_space<hbm>> -> memref<1x64x64xf32, #tpu.memory_space<hbm>>
        %dma_wait3A_131 = tpu.memref_squeeze %dma_wait3A_130 : memref<1x64x64xf32, #tpu.memory_space<hbm>> -> memref<64x64xf32, #tpu.memory_space<hbm>>
        %dma_wait3A_132 = arith.constant 0 : i32
        %dma_wait3A_133 = arith.constant 0 : i32
        %dma_wait3A_134 = arith.constant 0 : i32
        %dma_wait3A_135 = tpu.memref_slice %arg6[%rem3A_47, %dma_wait3A_132, %dma_wait3A_133, %dma_wait3A_134] : memref<2x2x64x64xf32, #tpu.memory_space<vmem>> -> memref<1x2x64x64xf32, #tpu.memory_space<vmem>>
        %dma_wait3A_136 = tpu.memref_squeeze %dma_wait3A_135 : memref<1x2x64x64xf32, #tpu.memory_space<vmem>> -> memref<2x64x64xf32, #tpu.memory_space<vmem>>
        %dma_wait3A_137 = arith.constant 0 : i32
        %dma_wait3A_138 = arith.constant 0 : i32
        %dma_wait3A_139 = tpu.memref_slice %dma_wait3A_136[%run_scoped3A, %dma_wait3A_137, %dma_wait3A_138] : memref<2x64x64xf32, #tpu.memory_space<vmem>> -> memref<1x64x64xf32, #tpu.memory_space<vmem>>
        %dma_wait3A_140 = tpu.memref_squeeze %dma_wait3A_139 : memref<1x64x64xf32, #tpu.memory_space<vmem>> -> memref<64x64xf32, #tpu.memory_space<vmem>>
        tpu.wait_dma2 semaphore(%run_scoped3A_92 : memref<!tpu.dma_semaphore, #tpu.memory_space<semaphore_mem>>) src(%dma_wait3A_140 : memref<64x64xf32, #tpu.memory_space<vmem>>) dst(%dma_wait3A_131 : memref<64x64xf32, #tpu.memory_space<hbm>>)
        tpu.yield
      }) : () -> ()
      %run_scoped3A_91 = arith.constant 1 : i32
      "tpu.region"() ({
        %run_scoped3A_92 = tpu.sem_alloc : memref<!tpu.dma_semaphore, #tpu.memory_space<semaphore_mem>>
        %dma_start3A_93 = arith.constant 0 : i32
        %dma_start3A_94 = arith.constant 0 : i32
        %dma_start3A_95 = arith.constant 0 : i32
        %dma_start3A_96 = tpu.memref_slice %arg6[%rem3A_47, %dma_start3A_93, %dma_start3A_94, %dma_start3A_95] : memref<2x2x64x64xf32, #tpu.memory_space<vmem>> -> memref<1x2x64x64xf32, #tpu.memory_space<vmem>>
        %dma_start3A_97 = tpu.memref_squeeze %dma_start3A_96 : memref<1x2x64x64xf32, #tpu.memory_space<vmem>> -> memref<2x64x64xf32, #tpu.memory_space<vmem>>
        %dma_start3A_98 = arith.constant 0 : i32
        %dma_start3A_99 = arith.constant 0 : i32
        %dma_start3A_100 = tpu.memref_slice %dma_start3A_97[%run_scoped3A_91, %dma_start3A_98, %dma_start3A_99] : memref<2x64x64xf32, #tpu.memory_space<vmem>> -> memref<1x64x64xf32, #tpu.memory_space<vmem>>
        %dma_start3A_101 = tpu.memref_squeeze %dma_start3A_100 : memref<1x64x64xf32, #tpu.memory_space<vmem>> -> memref<64x64xf32, #tpu.memory_space<vmem>>
        %dma_start3A_102 = arith.constant 64 : i32
        %dma_start3A_103 = tpu.memref_slice %arg4[%div3A_88, %rem3A_90, %dma_start3A_102] : memref<20x8192x128xf32, #tpu.memory_space<hbm>> -> memref<1x64x64xf32, #tpu.memory_space<hbm>>
        %dma_start3A_104 = tpu.memref_squeeze %dma_start3A_103 : memref<1x64x64xf32, #tpu.memory_space<hbm>> -> memref<64x64xf32, #tpu.memory_space<hbm>>
        %dma_start3A_105 = arith.constant 64 : i32
        %dma_start3A_106 = tpu.memref_slice %arg4[%div3A_88, %rem3A_90, %dma_start3A_105] : memref<20x8192x128xf32, #tpu.memory_space<hbm>> -> memref<1x64x64xf32, #tpu.memory_space<hbm>>
        %dma_start3A_107 = tpu.memref_squeeze %dma_start3A_106 : memref<1x64x64xf32, #tpu.memory_space<hbm>> -> memref<64x64xf32, #tpu.memory_space<hbm>>
        %dma_start3A_108 = arith.constant 0 : i32
        %dma_start3A_109 = arith.constant 0 : i32
        %dma_start3A_110 = arith.constant 0 : i32
        %dma_start3A_111 = tpu.memref_slice %arg6[%rem3A_47, %dma_start3A_108, %dma_start3A_109, %dma_start3A_110] : memref<2x2x64x64xf32, #tpu.memory_space<vmem>> -> memref<1x2x64x64xf32, #tpu.memory_space<vmem>>
        %dma_start3A_112 = tpu.memref_squeeze %dma_start3A_111 : memref<1x2x64x64xf32, #tpu.memory_space<vmem>> -> memref<2x64x64xf32, #tpu.memory_space<vmem>>
        %dma_start3A_113 = arith.constant 0 : i32
        %dma_start3A_114 = arith.constant 0 : i32
        %dma_start3A_115 = tpu.memref_slice %dma_start3A_112[%run_scoped3A_91, %dma_start3A_113, %dma_start3A_114] : memref<2x64x64xf32, #tpu.memory_space<vmem>> -> memref<1x64x64xf32, #tpu.memory_space<vmem>>
        %dma_start3A_116 = tpu.memref_squeeze %dma_start3A_115 : memref<1x64x64xf32, #tpu.memory_space<vmem>> -> memref<64x64xf32, #tpu.memory_space<vmem>>
        tpu.enqueue_dma source(%dma_start3A_116 : memref<64x64xf32, #tpu.memory_space<vmem>>) target(%dma_start3A_107 : memref<64x64xf32, #tpu.memory_space<hbm>>) target_semaphore(%run_scoped3A_92 : memref<!tpu.dma_semaphore, #tpu.memory_space<semaphore_mem>>)
        %dma_wait3A_117 = arith.constant 0 : i32
        %dma_wait3A_118 = arith.constant 0 : i32
        %dma_wait3A_119 = arith.constant 0 : i32
        %dma_wait3A_120 = tpu.memref_slice %arg6[%rem3A_47, %dma_wait3A_117, %dma_wait3A_118, %dma_wait3A_119] : memref<2x2x64x64xf32, #tpu.memory_space<vmem>> -> memref<1x2x64x64xf32, #tpu.memory_space<vmem>>
        %dma_wait3A_121 = tpu.memref_squeeze %dma_wait3A_120 : memref<1x2x64x64xf32, #tpu.memory_space<vmem>> -> memref<2x64x64xf32, #tpu.memory_space<vmem>>
        %dma_wait3A_122 = arith.constant 0 : i32
        %dma_wait3A_123 = arith.constant 0 : i32
        %dma_wait3A_124 = tpu.memref_slice %dma_wait3A_121[%run_scoped3A_91, %dma_wait3A_122, %dma_wait3A_123] : memref<2x64x64xf32, #tpu.memory_space<vmem>> -> memref<1x64x64xf32, #tpu.memory_space<vmem>>
        %dma_wait3A_125 = tpu.memref_squeeze %dma_wait3A_124 : memref<1x64x64xf32, #tpu.memory_space<vmem>> -> memref<64x64xf32, #tpu.memory_space<vmem>>
        %dma_wait3A_126 = arith.constant 64 : i32
        %dma_wait3A_127 = tpu.memref_slice %arg4[%div3A_88, %rem3A_90, %dma_wait3A_126] : memref<20x8192x128xf32, #tpu.memory_space<hbm>> -> memref<1x64x64xf32, #tpu.memory_space<hbm>>
        %dma_wait3A_128 = tpu.memref_squeeze %dma_wait3A_127 : memref<1x64x64xf32, #tpu.memory_space<hbm>> -> memref<64x64xf32, #tpu.memory_space<hbm>>
        %dma_wait3A_129 = arith.constant 64 : i32
        %dma_wait3A_130 = tpu.memref_slice %arg4[%div3A_88, %rem3A_90, %dma_wait3A_129] : memref<20x8192x128xf32, #tpu.memory_space<hbm>> -> memref<1x64x64xf32, #tpu.memory_space<hbm>>
        %dma_wait3A_131 = tpu.memref_squeeze %dma_wait3A_130 : memref<1x64x64xf32, #tpu.memory_space<hbm>> -> memref<64x64xf32, #tpu.memory_space<hbm>>
        %dma_wait3A_132 = arith.constant 0 : i32
        %dma_wait3A_133 = arith.constant 0 : i32
        %dma_wait3A_134 = arith.constant 0 : i32
        %dma_wait3A_135 = tpu.memref_slice %arg6[%rem3A_47, %dma_wait3A_132, %dma_wait3A_133, %dma_wait3A_134] : memref<2x2x64x64xf32, #tpu.memory_space<vmem>> -> memref<1x2x64x64xf32, #tpu.memory_space<vmem>>
        %dma_wait3A_136 = tpu.memref_squeeze %dma_wait3A_135 : memref<1x2x64x64xf32, #tpu.memory_space<vmem>> -> memref<2x64x64xf32, #tpu.memory_space<vmem>>
        %dma_wait3A_137 = arith.constant 0 : i32
        %dma_wait3A_138 = arith.constant 0 : i32
        %dma_wait3A_139 = tpu.memref_slice %dma_wait3A_136[%run_scoped3A_91, %dma_wait3A_137, %dma_wait3A_138] : memref<2x64x64xf32, #tpu.memory_space<vmem>> -> memref<1x64x64xf32, #tpu.memory_space<vmem>>
        %dma_wait3A_140 = tpu.memref_squeeze %dma_wait3A_139 : memref<1x64x64xf32, #tpu.memory_space<vmem>> -> memref<64x64xf32, #tpu.memory_space<vmem>>
        tpu.wait_dma2 semaphore(%run_scoped3A_92 : memref<!tpu.dma_semaphore, #tpu.memory_space<semaphore_mem>>) src(%dma_wait3A_140 : memref<64x64xf32, #tpu.memory_space<vmem>>) dst(%dma_wait3A_131 : memref<64x64xf32, #tpu.memory_space<hbm>>)
        tpu.yield
      }) : () -> ()
    }
    %scan3A_40 = arith.constant 80 : i32
    return
  }
}

module attributes {stable_mosaic.version = 14 : i64} {
  func.func @_attn_body(%arg0: i32, %arg1: memref<20x512x128xf32, #tpu.memory_space<vmem>>, %arg2: memref<128x32xf32, #tpu.memory_space<vmem>>, %arg3: memref<1x32xf32, #tpu.memory_space<vmem>>, %arg4: memref<32x2xf32, #tpu.memory_space<vmem>>, %arg5: memref<512x128xf32, #tpu.memory_space<vmem>>, %arg6: memref<512x40xf32, #tpu.memory_space<vmem>>) attributes {dimension_semantics = [#tpu.dimension_semantics<arbitrary>], iteration_bounds = array<i64: 16>, scalar_prefetch = 0 : i64, scratch_operands = 1 : i64, tpu.core_type = #tpu.core_type<tc>, window_params = [{transform_indices = @transform_0, window_bounds = array<i64: 20, 512, 128>}, {pipeline_mode = #tpu.pipeline_mode<synchronous>, transform_indices = @transform_1, window_bounds = array<i64: 128, 32>}, {pipeline_mode = #tpu.pipeline_mode<synchronous>, transform_indices = @transform_2, window_bounds = array<i64: 1, 32>}, {pipeline_mode = #tpu.pipeline_mode<synchronous>, transform_indices = @transform_3, window_bounds = array<i64: 32, 2>}, {transform_indices = @transform_4, window_bounds = array<i64: 512, 128>}]} {
    %get3A = arith.constant 0 : index
    %get3A_0 = arith.constant 0 : index
    %get3A_1 = vector.load %arg2[%get3A, %get3A_0] : memref<128x32xf32, #tpu.memory_space<vmem>>, vector<128x32xf32>
    %get3A_2 = arith.constant 0 : index
    %get3A_3 = arith.constant 0 : index
    %get3A_4 = vector.load %arg3[%get3A_2, %get3A_3] : memref<1x32xf32, #tpu.memory_space<vmem>>, vector<1x32xf32>
    %get3A_5 = arith.constant 0 : index
    %get3A_6 = arith.constant 0 : index
    %get3A_7 = vector.load %arg4[%get3A_5, %get3A_6] : memref<32x2xf32, #tpu.memory_space<vmem>>, vector<32x2xf32>
    %get3A_8 = arith.constant 0 : index
    %get3A_9 = arith.constant 0 : index
    %get3A_10 = arith.constant 0 : index
    %get3A_11 = vector.load %arg1[%get3A_8, %get3A_9, %get3A_10] : memref<20x512x128xf32, #tpu.memory_space<vmem>>, vector<1x512x128xf32>
    %get3A_12 = vector.shape_cast %get3A_11 : vector<1x512x128xf32> to vector<512x128xf32>
    %dot_general3A = arith.constant dense<0.000000e+00> : vector<512x32xf32>
    %dot_general3A_13 = tpu.matmul %get3A_12, %get3A_1, %dot_general3A {dimension_numbers = #tpu.dot_dimension_numbers<[1], [0], [0], [1], [0, 0, 1, 1], [], []>, transpose_lhs_hint = false} : vector<512x128xf32>, vector<128x32xf32>, vector<512x32xf32> -> vector<512x32xf32>
    %add3A = vector.broadcast %get3A_4 : vector<1x32xf32> to vector<512x32xf32>
    %add3A_14 = arith.addf %dot_general3A_13, %add3A : vector<512x32xf32>
    %max3A = arith.constant 0.000000e+00 : f32
    %max3A_15 = vector.broadcast %max3A : f32 to vector<512x32xf32>
    %max3A_16 = arith.maximumf %add3A_14, %max3A_15 : vector<512x32xf32>
    %dot_general3A_17 = arith.constant dense<0.000000e+00> : vector<512x2xf32>
    %dot_general3A_18 = tpu.matmul %max3A_16, %get3A_7, %dot_general3A_17 {dimension_numbers = #tpu.dot_dimension_numbers<[1], [0], [0], [1], [0, 0, 1, 1], [], []>, transpose_lhs_hint = false} : vector<512x32xf32>, vector<32x2xf32>, vector<512x2xf32> -> vector<512x2xf32>
    %slice3A = vector.extract_strided_slice %dot_general3A_18 {offsets = [0, 0], sizes = [512, 1], strides = [1, 1]} : vector<512x2xf32> to vector<512x1xf32>
    %swap3A = arith.constant 0 : index
    %swap3A_19 = arith.constant 0 : index
    %swap3A_20 = vector.load %arg6[%swap3A, %swap3A_19] : memref<512x40xf32, #tpu.memory_space<vmem>>, vector<512x1xf32>
    tpu.vector_store %arg6[%swap3A, %swap3A_19], %slice3A {strides = array<i32>} : memref<512x40xf32, #tpu.memory_space<vmem>>, vector<512x1xf32>,
    %slice3A_21 = vector.extract_strided_slice %dot_general3A_18 {offsets = [0, 1], sizes = [512, 1], strides = [1, 1]} : vector<512x2xf32> to vector<512x1xf32>
    %swap3A_22 = arith.constant 0 : index
    %swap3A_23 = arith.constant 20 : index
    %swap3A_24 = vector.load %arg6[%swap3A_22, %swap3A_23] : memref<512x40xf32, #tpu.memory_space<vmem>>, vector<512x1xf32>
    tpu.vector_store %arg6[%swap3A_22, %swap3A_23], %slice3A_21 {strides = array<i32>} : memref<512x40xf32, #tpu.memory_space<vmem>>, vector<512x1xf32>,
    %get3A_25 = arith.constant 1 : index
    %get3A_26 = arith.constant 0 : index
    %get3A_27 = arith.constant 0 : index
    %get3A_28 = vector.load %arg1[%get3A_25, %get3A_26, %get3A_27] : memref<20x512x128xf32, #tpu.memory_space<vmem>>, vector<1x512x128xf32>
    %get3A_29 = vector.shape_cast %get3A_28 : vector<1x512x128xf32> to vector<512x128xf32>
    %dot_general3A_30 = arith.constant dense<0.000000e+00> : vector<512x32xf32>
    %dot_general3A_31 = tpu.matmul %get3A_29, %get3A_1, %dot_general3A_30 {dimension_numbers = #tpu.dot_dimension_numbers<[1], [0], [0], [1], [0, 0, 1, 1], [], []>, transpose_lhs_hint = false} : vector<512x128xf32>, vector<128x32xf32>, vector<512x32xf32> -> vector<512x32xf32>
    %add3A_32 = vector.broadcast %get3A_4 : vector<1x32xf32> to vector<512x32xf32>
    %add3A_33 = arith.addf %dot_general3A_31, %add3A_32 : vector<512x32xf32>
    %max3A_34 = arith.constant 0.000000e+00 : f32
    %max3A_35 = vector.broadcast %max3A_34 : f32 to vector<512x32xf32>
    %max3A_36 = arith.maximumf %add3A_33, %max3A_35 : vector<512x32xf32>
    %dot_general3A_37 = arith.constant dense<0.000000e+00> : vector<512x2xf32>
    %dot_general3A_38 = tpu.matmul %max3A_36, %get3A_7, %dot_general3A_37 {dimension_numbers = #tpu.dot_dimension_numbers<[1], [0], [0], [1], [0, 0, 1, 1], [], []>, transpose_lhs_hint = false} : vector<512x32xf32>, vector<32x2xf32>, vector<512x2xf32> -> vector<512x2xf32>
    %slice3A_39 = vector.extract_strided_slice %dot_general3A_38 {offsets = [0, 0], sizes = [512, 1], strides = [1, 1]} : vector<512x2xf32> to vector<512x1xf32>
    %swap3A_40 = arith.constant 0 : index
    %swap3A_41 = arith.constant 1 : index
    %swap3A_42 = vector.load %arg6[%swap3A_40, %swap3A_41] : memref<512x40xf32, #tpu.memory_space<vmem>>, vector<512x1xf32>
    tpu.vector_store %arg6[%swap3A_40, %swap3A_41], %slice3A_39 {strides = array<i32>} : memref<512x40xf32, #tpu.memory_space<vmem>>, vector<512x1xf32>,
    %slice3A_43 = vector.extract_strided_slice %dot_general3A_38 {offsets = [0, 1], sizes = [512, 1], strides = [1, 1]} : vector<512x2xf32> to vector<512x1xf32>
    %swap3A_44 = arith.constant 0 : index
    %swap3A_45 = arith.constant 21 : index
    %swap3A_46 = vector.load %arg6[%swap3A_44, %swap3A_45] : memref<512x40xf32, #tpu.memory_space<vmem>>, vector<512x1xf32>
    tpu.vector_store %arg6[%swap3A_44, %swap3A_45], %slice3A_43 {strides = array<i32>} : memref<512x40xf32, #tpu.memory_space<vmem>>, vector<512x1xf32>,
    %get3A_47 = arith.constant 2 : index
    %get3A_48 = arith.constant 0 : index
    %get3A_49 = arith.constant 0 : index
    %get3A_50 = vector.load %arg1[%get3A_47, %get3A_48, %get3A_49] : memref<20x512x128xf32, #tpu.memory_space<vmem>>, vector<1x512x128xf32>
    %get3A_51 = vector.shape_cast %get3A_50 : vector<1x512x128xf32> to vector<512x128xf32>
    %dot_general3A_52 = arith.constant dense<0.000000e+00> : vector<512x32xf32>
    %dot_general3A_53 = tpu.matmul %get3A_51, %get3A_1, %dot_general3A_52 {dimension_numbers = #tpu.dot_dimension_numbers<[1], [0], [0], [1], [0, 0, 1, 1], [], []>, transpose_lhs_hint = false} : vector<512x128xf32>, vector<128x32xf32>, vector<512x32xf32> -> vector<512x32xf32>
    %add3A_54 = vector.broadcast %get3A_4 : vector<1x32xf32> to vector<512x32xf32>
    %add3A_55 = arith.addf %dot_general3A_53, %add3A_54 : vector<512x32xf32>
    %max3A_56 = arith.constant 0.000000e+00 : f32
    %max3A_57 = vector.broadcast %max3A_56 : f32 to vector<512x32xf32>
    %max3A_58 = arith.maximumf %add3A_55, %max3A_57 : vector<512x32xf32>
    %dot_general3A_59 = arith.constant dense<0.000000e+00> : vector<512x2xf32>
    %dot_general3A_60 = tpu.matmul %max3A_58, %get3A_7, %dot_general3A_59 {dimension_numbers = #tpu.dot_dimension_numbers<[1], [0], [0], [1], [0, 0, 1, 1], [], []>, transpose_lhs_hint = false} : vector<512x32xf32>, vector<32x2xf32>, vector<512x2xf32> -> vector<512x2xf32>
    %slice3A_61 = vector.extract_strided_slice %dot_general3A_60 {offsets = [0, 0], sizes = [512, 1], strides = [1, 1]} : vector<512x2xf32> to vector<512x1xf32>
    %swap3A_62 = arith.constant 0 : index
    %swap3A_63 = arith.constant 2 : index
    %swap3A_64 = vector.load %arg6[%swap3A_62, %swap3A_63] : memref<512x40xf32, #tpu.memory_space<vmem>>, vector<512x1xf32>
    tpu.vector_store %arg6[%swap3A_62, %swap3A_63], %slice3A_61 {strides = array<i32>} : memref<512x40xf32, #tpu.memory_space<vmem>>, vector<512x1xf32>,
    %slice3A_65 = vector.extract_strided_slice %dot_general3A_60 {offsets = [0, 1], sizes = [512, 1], strides = [1, 1]} : vector<512x2xf32> to vector<512x1xf32>
    %swap3A_66 = arith.constant 0 : index
    %swap3A_67 = arith.constant 22 : index
    %swap3A_68 = vector.load %arg6[%swap3A_66, %swap3A_67] : memref<512x40xf32, #tpu.memory_space<vmem>>, vector<512x1xf32>
    tpu.vector_store %arg6[%swap3A_66, %swap3A_67], %slice3A_65 {strides = array<i32>} : memref<512x40xf32, #tpu.memory_space<vmem>>, vector<512x1xf32>,
    %get3A_69 = arith.constant 3 : index
    %get3A_70 = arith.constant 0 : index
    %get3A_71 = arith.constant 0 : index
    %get3A_72 = vector.load %arg1[%get3A_69, %get3A_70, %get3A_71] : memref<20x512x128xf32, #tpu.memory_space<vmem>>, vector<1x512x128xf32>
    %get3A_73 = vector.shape_cast %get3A_72 : vector<1x512x128xf32> to vector<512x128xf32>
    %dot_general3A_74 = arith.constant dense<0.000000e+00> : vector<512x32xf32>
    %dot_general3A_75 = tpu.matmul %get3A_73, %get3A_1, %dot_general3A_74 {dimension_numbers = #tpu.dot_dimension_numbers<[1], [0], [0], [1], [0, 0, 1, 1], [], []>, transpose_lhs_hint = false} : vector<512x128xf32>, vector<128x32xf32>, vector<512x32xf32> -> vector<512x32xf32>
    %add3A_76 = vector.broadcast %get3A_4 : vector<1x32xf32> to vector<512x32xf32>
    %add3A_77 = arith.addf %dot_general3A_75, %add3A_76 : vector<512x32xf32>
    %max3A_78 = arith.constant 0.000000e+00 : f32
    %max3A_79 = vector.broadcast %max3A_78 : f32 to vector<512x32xf32>
    %max3A_80 = arith.maximumf %add3A_77, %max3A_79 : vector<512x32xf32>
    %dot_general3A_81 = arith.constant dense<0.000000e+00> : vector<512x2xf32>
    %dot_general3A_82 = tpu.matmul %max3A_80, %get3A_7, %dot_general3A_81 {dimension_numbers = #tpu.dot_dimension_numbers<[1], [0], [0], [1], [0, 0, 1, 1], [], []>, transpose_lhs_hint = false} : vector<512x32xf32>, vector<32x2xf32>, vector<512x2xf32> -> vector<512x2xf32>
    %slice3A_83 = vector.extract_strided_slice %dot_general3A_82 {offsets = [0, 0], sizes = [512, 1], strides = [1, 1]} : vector<512x2xf32> to vector<512x1xf32>
    %swap3A_84 = arith.constant 0 : index
    %swap3A_85 = arith.constant 3 : index
    %swap3A_86 = vector.load %arg6[%swap3A_84, %swap3A_85] : memref<512x40xf32, #tpu.memory_space<vmem>>, vector<512x1xf32>
    tpu.vector_store %arg6[%swap3A_84, %swap3A_85], %slice3A_83 {strides = array<i32>} : memref<512x40xf32, #tpu.memory_space<vmem>>, vector<512x1xf32>,
    %slice3A_87 = vector.extract_strided_slice %dot_general3A_82 {offsets = [0, 1], sizes = [512, 1], strides = [1, 1]} : vector<512x2xf32> to vector<512x1xf32>
    %swap3A_88 = arith.constant 0 : index
    %swap3A_89 = arith.constant 23 : index
    %swap3A_90 = vector.load %arg6[%swap3A_88, %swap3A_89] : memref<512x40xf32, #tpu.memory_space<vmem>>, vector<512x1xf32>
    tpu.vector_store %arg6[%swap3A_88, %swap3A_89], %slice3A_87 {strides = array<i32>} : memref<512x40xf32, #tpu.memory_space<vmem>>, vector<512x1xf32>,
    %get3A_91 = arith.constant 4 : index
    %get3A_92 = arith.constant 0 : index
    %get3A_93 = arith.constant 0 : index
    %get3A_94 = vector.load %arg1[%get3A_91, %get3A_92, %get3A_93] : memref<20x512x128xf32, #tpu.memory_space<vmem>>, vector<1x512x128xf32>
    %get3A_95 = vector.shape_cast %get3A_94 : vector<1x512x128xf32> to vector<512x128xf32>
    %dot_general3A_96 = arith.constant dense<0.000000e+00> : vector<512x32xf32>
    %dot_general3A_97 = tpu.matmul %get3A_95, %get3A_1, %dot_general3A_96 {dimension_numbers = #tpu.dot_dimension_numbers<[1], [0], [0], [1], [0, 0, 1, 1], [], []>, transpose_lhs_hint = false} : vector<512x128xf32>, vector<128x32xf32>, vector<512x32xf32> -> vector<512x32xf32>
    %add3A_98 = vector.broadcast %get3A_4 : vector<1x32xf32> to vector<512x32xf32>
    %add3A_99 = arith.addf %dot_general3A_97, %add3A_98 : vector<512x32xf32>
    %max3A_100 = arith.constant 0.000000e+00 : f32
    %max3A_101 = vector.broadcast %max3A_100 : f32 to vector<512x32xf32>
    %max3A_102 = arith.maximumf %add3A_99, %max3A_101 : vector<512x32xf32>
    %dot_general3A_103 = arith.constant dense<0.000000e+00> : vector<512x2xf32>
    %dot_general3A_104 = tpu.matmul %max3A_102, %get3A_7, %dot_general3A_103 {dimension_numbers = #tpu.dot_dimension_numbers<[1], [0], [0], [1], [0, 0, 1, 1], [], []>, transpose_lhs_hint = false} : vector<512x32xf32>, vector<32x2xf32>, vector<512x2xf32> -> vector<512x2xf32>
    %slice3A_105 = vector.extract_strided_slice %dot_general3A_104 {offsets = [0, 0], sizes = [512, 1], strides = [1, 1]} : vector<512x2xf32> to vector<512x1xf32>
    %swap3A_106 = arith.constant 0 : index
    %swap3A_107 = arith.constant 4 : index
    %swap3A_108 = vector.load %arg6[%swap3A_106, %swap3A_107] : memref<512x40xf32, #tpu.memory_space<vmem>>, vector<512x1xf32>
    tpu.vector_store %arg6[%swap3A_106, %swap3A_107], %slice3A_105 {strides = array<i32>} : memref<512x40xf32, #tpu.memory_space<vmem>>, vector<512x1xf32>,
    %slice3A_109 = vector.extract_strided_slice %dot_general3A_104 {offsets = [0, 1], sizes = [512, 1], strides = [1, 1]} : vector<512x2xf32> to vector<512x1xf32>
    %swap3A_110 = arith.constant 0 : index
    %swap3A_111 = arith.constant 24 : index
    %swap3A_112 = vector.load %arg6[%swap3A_110, %swap3A_111] : memref<512x40xf32, #tpu.memory_space<vmem>>, vector<512x1xf32>
    tpu.vector_store %arg6[%swap3A_110, %swap3A_111], %slice3A_109 {strides = array<i32>} : memref<512x40xf32, #tpu.memory_space<vmem>>, vector<512x1xf32>,
    %get3A_113 = arith.constant 5 : index
    %get3A_114 = arith.constant 0 : index
    %get3A_115 = arith.constant 0 : index
    %get3A_116 = vector.load %arg1[%get3A_113, %get3A_114, %get3A_115] : memref<20x512x128xf32, #tpu.memory_space<vmem>>, vector<1x512x128xf32>
    %get3A_117 = vector.shape_cast %get3A_116 : vector<1x512x128xf32> to vector<512x128xf32>
    %dot_general3A_118 = arith.constant dense<0.000000e+00> : vector<512x32xf32>
    %dot_general3A_119 = tpu.matmul %get3A_117, %get3A_1, %dot_general3A_118 {dimension_numbers = #tpu.dot_dimension_numbers<[1], [0], [0], [1], [0, 0, 1, 1], [], []>, transpose_lhs_hint = false} : vector<512x128xf32>, vector<128x32xf32>, vector<512x32xf32> -> vector<512x32xf32>
    %add3A_120 = vector.broadcast %get3A_4 : vector<1x32xf32> to vector<512x32xf32>
    %add3A_121 = arith.addf %dot_general3A_119, %add3A_120 : vector<512x32xf32>
    %max3A_122 = arith.constant 0.000000e+00 : f32
    %max3A_123 = vector.broadcast %max3A_122 : f32 to vector<512x32xf32>
    %max3A_124 = arith.maximumf %add3A_121, %max3A_123 : vector<512x32xf32>
    %dot_general3A_125 = arith.constant dense<0.000000e+00> : vector<512x2xf32>
    %dot_general3A_126 = tpu.matmul %max3A_124, %get3A_7, %dot_general3A_125 {dimension_numbers = #tpu.dot_dimension_numbers<[1], [0], [0], [1], [0, 0, 1, 1], [], []>, transpose_lhs_hint = false} : vector<512x32xf32>, vector<32x2xf32>, vector<512x2xf32> -> vector<512x2xf32>
    %slice3A_127 = vector.extract_strided_slice %dot_general3A_126 {offsets = [0, 0], sizes = [512, 1], strides = [1, 1]} : vector<512x2xf32> to vector<512x1xf32>
    %swap3A_128 = arith.constant 0 : index
    %swap3A_129 = arith.constant 5 : index
    %swap3A_130 = vector.load %arg6[%swap3A_128, %swap3A_129] : memref<512x40xf32, #tpu.memory_space<vmem>>, vector<512x1xf32>
    tpu.vector_store %arg6[%swap3A_128, %swap3A_129], %slice3A_127 {strides = array<i32>} : memref<512x40xf32, #tpu.memory_space<vmem>>, vector<512x1xf32>,
    %slice3A_131 = vector.extract_strided_slice %dot_general3A_126 {offsets = [0, 1], sizes = [512, 1], strides = [1, 1]} : vector<512x2xf32> to vector<512x1xf32>
    %swap3A_132 = arith.constant 0 : index
    %swap3A_133 = arith.constant 25 : index
    %swap3A_134 = vector.load %arg6[%swap3A_132, %swap3A_133] : memref<512x40xf32, #tpu.memory_space<vmem>>, vector<512x1xf32>
    tpu.vector_store %arg6[%swap3A_132, %swap3A_133], %slice3A_131 {strides = array<i32>} : memref<512x40xf32, #tpu.memory_space<vmem>>, vector<512x1xf32>,
    %get3A_135 = arith.constant 6 : index
    %get3A_136 = arith.constant 0 : index
    %get3A_137 = arith.constant 0 : index
    %get3A_138 = vector.load %arg1[%get3A_135, %get3A_136, %get3A_137] : memref<20x512x128xf32, #tpu.memory_space<vmem>>, vector<1x512x128xf32>
    %get3A_139 = vector.shape_cast %get3A_138 : vector<1x512x128xf32> to vector<512x128xf32>
    %dot_general3A_140 = arith.constant dense<0.000000e+00> : vector<512x32xf32>
    %dot_general3A_141 = tpu.matmul %get3A_139, %get3A_1, %dot_general3A_140 {dimension_numbers = #tpu.dot_dimension_numbers<[1], [0], [0], [1], [0, 0, 1, 1], [], []>, transpose_lhs_hint = false} : vector<512x128xf32>, vector<128x32xf32>, vector<512x32xf32> -> vector<512x32xf32>
    %add3A_142 = vector.broadcast %get3A_4 : vector<1x32xf32> to vector<512x32xf32>
    %add3A_143 = arith.addf %dot_general3A_141, %add3A_142 : vector<512x32xf32>
    %max3A_144 = arith.constant 0.000000e+00 : f32
    %max3A_145 = vector.broadcast %max3A_144 : f32 to vector<512x32xf32>
    %max3A_146 = arith.maximumf %add3A_143, %max3A_145 : vector<512x32xf32>
    %dot_general3A_147 = arith.constant dense<0.000000e+00> : vector<512x2xf32>
    %dot_general3A_148 = tpu.matmul %max3A_146, %get3A_7, %dot_general3A_147 {dimension_numbers = #tpu.dot_dimension_numbers<[1], [0], [0], [1], [0, 0, 1, 1], [], []>, transpose_lhs_hint = false} : vector<512x32xf32>, vector<32x2xf32>, vector<512x2xf32> -> vector<512x2xf32>
    %slice3A_149 = vector.extract_strided_slice %dot_general3A_148 {offsets = [0, 0], sizes = [512, 1], strides = [1, 1]} : vector<512x2xf32> to vector<512x1xf32>
    %swap3A_150 = arith.constant 0 : index
    %swap3A_151 = arith.constant 6 : index
    %swap3A_152 = vector.load %arg6[%swap3A_150, %swap3A_151] : memref<512x40xf32, #tpu.memory_space<vmem>>, vector<512x1xf32>
    tpu.vector_store %arg6[%swap3A_150, %swap3A_151], %slice3A_149 {strides = array<i32>} : memref<512x40xf32, #tpu.memory_space<vmem>>, vector<512x1xf32>,
    %slice3A_153 = vector.extract_strided_slice %dot_general3A_148 {offsets = [0, 1], sizes = [512, 1], strides = [1, 1]} : vector<512x2xf32> to vector<512x1xf32>
    %swap3A_154 = arith.constant 0 : index
    %swap3A_155 = arith.constant 26 : index
    %swap3A_156 = vector.load %arg6[%swap3A_154, %swap3A_155] : memref<512x40xf32, #tpu.memory_space<vmem>>, vector<512x1xf32>
    tpu.vector_store %arg6[%swap3A_154, %swap3A_155], %slice3A_153 {strides = array<i32>} : memref<512x40xf32, #tpu.memory_space<vmem>>, vector<512x1xf32>,
    %get3A_157 = arith.constant 7 : index
    %get3A_158 = arith.constant 0 : index
    %get3A_159 = arith.constant 0 : index
    %get3A_160 = vector.load %arg1[%get3A_157, %get3A_158, %get3A_159] : memref<20x512x128xf32, #tpu.memory_space<vmem>>, vector<1x512x128xf32>
    %get3A_161 = vector.shape_cast %get3A_160 : vector<1x512x128xf32> to vector<512x128xf32>
    %dot_general3A_162 = arith.constant dense<0.000000e+00> : vector<512x32xf32>
    %dot_general3A_163 = tpu.matmul %get3A_161, %get3A_1, %dot_general3A_162 {dimension_numbers = #tpu.dot_dimension_numbers<[1], [0], [0], [1], [0, 0, 1, 1], [], []>, transpose_lhs_hint = false} : vector<512x128xf32>, vector<128x32xf32>, vector<512x32xf32> -> vector<512x32xf32>
    %add3A_164 = vector.broadcast %get3A_4 : vector<1x32xf32> to vector<512x32xf32>
    %add3A_165 = arith.addf %dot_general3A_163, %add3A_164 : vector<512x32xf32>
    %max3A_166 = arith.constant 0.000000e+00 : f32
    %max3A_167 = vector.broadcast %max3A_166 : f32 to vector<512x32xf32>
    %max3A_168 = arith.maximumf %add3A_165, %max3A_167 : vector<512x32xf32>
    %dot_general3A_169 = arith.constant dense<0.000000e+00> : vector<512x2xf32>
    %dot_general3A_170 = tpu.matmul %max3A_168, %get3A_7, %dot_general3A_169 {dimension_numbers = #tpu.dot_dimension_numbers<[1], [0], [0], [1], [0, 0, 1, 1], [], []>, transpose_lhs_hint = false} : vector<512x32xf32>, vector<32x2xf32>, vector<512x2xf32> -> vector<512x2xf32>
    %slice3A_171 = vector.extract_strided_slice %dot_general3A_170 {offsets = [0, 0], sizes = [512, 1], strides = [1, 1]} : vector<512x2xf32> to vector<512x1xf32>
    %swap3A_172 = arith.constant 0 : index
    %swap3A_173 = arith.constant 7 : index
    %swap3A_174 = vector.load %arg6[%swap3A_172, %swap3A_173] : memref<512x40xf32, #tpu.memory_space<vmem>>, vector<512x1xf32>
    tpu.vector_store %arg6[%swap3A_172, %swap3A_173], %slice3A_171 {strides = array<i32>} : memref<512x40xf32, #tpu.memory_space<vmem>>, vector<512x1xf32>,
    %slice3A_175 = vector.extract_strided_slice %dot_general3A_170 {offsets = [0, 1], sizes = [512, 1], strides = [1, 1]} : vector<512x2xf32> to vector<512x1xf32>
    %swap3A_176 = arith.constant 0 : index
    %swap3A_177 = arith.constant 27 : index
    %swap3A_178 = vector.load %arg6[%swap3A_176, %swap3A_177] : memref<512x40xf32, #tpu.memory_space<vmem>>, vector<512x1xf32>
    tpu.vector_store %arg6[%swap3A_176, %swap3A_177], %slice3A_175 {strides = array<i32>} : memref<512x40xf32, #tpu.memory_space<vmem>>, vector<512x1xf32>,
    %get3A_179 = arith.constant 8 : index
    %get3A_180 = arith.constant 0 : index
    %get3A_181 = arith.constant 0 : index
    %get3A_182 = vector.load %arg1[%get3A_179, %get3A_180, %get3A_181] : memref<20x512x128xf32, #tpu.memory_space<vmem>>, vector<1x512x128xf32>
    %get3A_183 = vector.shape_cast %get3A_182 : vector<1x512x128xf32> to vector<512x128xf32>
    %dot_general3A_184 = arith.constant dense<0.000000e+00> : vector<512x32xf32>
    %dot_general3A_185 = tpu.matmul %get3A_183, %get3A_1, %dot_general3A_184 {dimension_numbers = #tpu.dot_dimension_numbers<[1], [0], [0], [1], [0, 0, 1, 1], [], []>, transpose_lhs_hint = false} : vector<512x128xf32>, vector<128x32xf32>, vector<512x32xf32> -> vector<512x32xf32>
    %add3A_186 = vector.broadcast %get3A_4 : vector<1x32xf32> to vector<512x32xf32>
    %add3A_187 = arith.addf %dot_general3A_185, %add3A_186 : vector<512x32xf32>
    %max3A_188 = arith.constant 0.000000e+00 : f32
    %max3A_189 = vector.broadcast %max3A_188 : f32 to vector<512x32xf32>
    %max3A_190 = arith.maximumf %add3A_187, %max3A_189 : vector<512x32xf32>
    %dot_general3A_191 = arith.constant dense<0.000000e+00> : vector<512x2xf32>
    %dot_general3A_192 = tpu.matmul %max3A_190, %get3A_7, %dot_general3A_191 {dimension_numbers = #tpu.dot_dimension_numbers<[1], [0], [0], [1], [0, 0, 1, 1], [], []>, transpose_lhs_hint = false} : vector<512x32xf32>, vector<32x2xf32>, vector<512x2xf32> -> vector<512x2xf32>
    %slice3A_193 = vector.extract_strided_slice %dot_general3A_192 {offsets = [0, 0], sizes = [512, 1], strides = [1, 1]} : vector<512x2xf32> to vector<512x1xf32>
    %swap3A_194 = arith.constant 0 : index
    %swap3A_195 = arith.constant 8 : index
    %swap3A_196 = vector.load %arg6[%swap3A_194, %swap3A_195] : memref<512x40xf32, #tpu.memory_space<vmem>>, vector<512x1xf32>
    tpu.vector_store %arg6[%swap3A_194, %swap3A_195], %slice3A_193 {strides = array<i32>} : memref<512x40xf32, #tpu.memory_space<vmem>>, vector<512x1xf32>,
    %slice3A_197 = vector.extract_strided_slice %dot_general3A_192 {offsets = [0, 1], sizes = [512, 1], strides = [1, 1]} : vector<512x2xf32> to vector<512x1xf32>
    %swap3A_198 = arith.constant 0 : index
    %swap3A_199 = arith.constant 28 : index
    %swap3A_200 = vector.load %arg6[%swap3A_198, %swap3A_199] : memref<512x40xf32, #tpu.memory_space<vmem>>, vector<512x1xf32>
    tpu.vector_store %arg6[%swap3A_198, %swap3A_199], %slice3A_197 {strides = array<i32>} : memref<512x40xf32, #tpu.memory_space<vmem>>, vector<512x1xf32>,
    %get3A_201 = arith.constant 9 : index
    %get3A_202 = arith.constant 0 : index
    %get3A_203 = arith.constant 0 : index
    %get3A_204 = vector.load %arg1[%get3A_201, %get3A_202, %get3A_203] : memref<20x512x128xf32, #tpu.memory_space<vmem>>, vector<1x512x128xf32>
    %get3A_205 = vector.shape_cast %get3A_204 : vector<1x512x128xf32> to vector<512x128xf32>
    %dot_general3A_206 = arith.constant dense<0.000000e+00> : vector<512x32xf32>
    %dot_general3A_207 = tpu.matmul %get3A_205, %get3A_1, %dot_general3A_206 {dimension_numbers = #tpu.dot_dimension_numbers<[1], [0], [0], [1], [0, 0, 1, 1], [], []>, transpose_lhs_hint = false} : vector<512x128xf32>, vector<128x32xf32>, vector<512x32xf32> -> vector<512x32xf32>
    %add3A_208 = vector.broadcast %get3A_4 : vector<1x32xf32> to vector<512x32xf32>
    %add3A_209 = arith.addf %dot_general3A_207, %add3A_208 : vector<512x32xf32>
    %max3A_210 = arith.constant 0.000000e+00 : f32
    %max3A_211 = vector.broadcast %max3A_210 : f32 to vector<512x32xf32>
    %max3A_212 = arith.maximumf %add3A_209, %max3A_211 : vector<512x32xf32>
    %dot_general3A_213 = arith.constant dense<0.000000e+00> : vector<512x2xf32>
    %dot_general3A_214 = tpu.matmul %max3A_212, %get3A_7, %dot_general3A_213 {dimension_numbers = #tpu.dot_dimension_numbers<[1], [0], [0], [1], [0, 0, 1, 1], [], []>, transpose_lhs_hint = false} : vector<512x32xf32>, vector<32x2xf32>, vector<512x2xf32> -> vector<512x2xf32>
    %slice3A_215 = vector.extract_strided_slice %dot_general3A_214 {offsets = [0, 0], sizes = [512, 1], strides = [1, 1]} : vector<512x2xf32> to vector<512x1xf32>
    %swap3A_216 = arith.constant 0 : index
    %swap3A_217 = arith.constant 9 : index
    %swap3A_218 = vector.load %arg6[%swap3A_216, %swap3A_217] : memref<512x40xf32, #tpu.memory_space<vmem>>, vector<512x1xf32>
    tpu.vector_store %arg6[%swap3A_216, %swap3A_217], %slice3A_215 {strides = array<i32>} : memref<512x40xf32, #tpu.memory_space<vmem>>, vector<512x1xf32>,
    %slice3A_219 = vector.extract_strided_slice %dot_general3A_214 {offsets = [0, 1], sizes = [512, 1], strides = [1, 1]} : vector<512x2xf32> to vector<512x1xf32>
    %swap3A_220 = arith.constant 0 : index
    %swap3A_221 = arith.constant 29 : index
    %swap3A_222 = vector.load %arg6[%swap3A_220, %swap3A_221] : memref<512x40xf32, #tpu.memory_space<vmem>>, vector<512x1xf32>
    tpu.vector_store %arg6[%swap3A_220, %swap3A_221], %slice3A_219 {strides = array<i32>} : memref<512x40xf32, #tpu.memory_space<vmem>>, vector<512x1xf32>,
    %get3A_223 = arith.constant 10 : index
    %get3A_224 = arith.constant 0 : index
    %get3A_225 = arith.constant 0 : index
    %get3A_226 = vector.load %arg1[%get3A_223, %get3A_224, %get3A_225] : memref<20x512x128xf32, #tpu.memory_space<vmem>>, vector<1x512x128xf32>
    %get3A_227 = vector.shape_cast %get3A_226 : vector<1x512x128xf32> to vector<512x128xf32>
    %dot_general3A_228 = arith.constant dense<0.000000e+00> : vector<512x32xf32>
    %dot_general3A_229 = tpu.matmul %get3A_227, %get3A_1, %dot_general3A_228 {dimension_numbers = #tpu.dot_dimension_numbers<[1], [0], [0], [1], [0, 0, 1, 1], [], []>, transpose_lhs_hint = false} : vector<512x128xf32>, vector<128x32xf32>, vector<512x32xf32> -> vector<512x32xf32>
    %add3A_230 = vector.broadcast %get3A_4 : vector<1x32xf32> to vector<512x32xf32>
    %add3A_231 = arith.addf %dot_general3A_229, %add3A_230 : vector<512x32xf32>
    %max3A_232 = arith.constant 0.000000e+00 : f32
    %max3A_233 = vector.broadcast %max3A_232 : f32 to vector<512x32xf32>
    %max3A_234 = arith.maximumf %add3A_231, %max3A_233 : vector<512x32xf32>
    %dot_general3A_235 = arith.constant dense<0.000000e+00> : vector<512x2xf32>
    %dot_general3A_236 = tpu.matmul %max3A_234, %get3A_7, %dot_general3A_235 {dimension_numbers = #tpu.dot_dimension_numbers<[1], [0], [0], [1], [0, 0, 1, 1], [], []>, transpose_lhs_hint = false} : vector<512x32xf32>, vector<32x2xf32>, vector<512x2xf32> -> vector<512x2xf32>
    %slice3A_237 = vector.extract_strided_slice %dot_general3A_236 {offsets = [0, 0], sizes = [512, 1], strides = [1, 1]} : vector<512x2xf32> to vector<512x1xf32>
    %swap3A_238 = arith.constant 0 : index
    %swap3A_239 = arith.constant 10 : index
    %swap3A_240 = vector.load %arg6[%swap3A_238, %swap3A_239] : memref<512x40xf32, #tpu.memory_space<vmem>>, vector<512x1xf32>
    tpu.vector_store %arg6[%swap3A_238, %swap3A_239], %slice3A_237 {strides = array<i32>} : memref<512x40xf32, #tpu.memory_space<vmem>>, vector<512x1xf32>,
    %slice3A_241 = vector.extract_strided_slice %dot_general3A_236 {offsets = [0, 1], sizes = [512, 1], strides = [1, 1]} : vector<512x2xf32> to vector<512x1xf32>
    %swap3A_242 = arith.constant 0 : index
    %swap3A_243 = arith.constant 30 : index
    %swap3A_244 = vector.load %arg6[%swap3A_242, %swap3A_243] : memref<512x40xf32, #tpu.memory_space<vmem>>, vector<512x1xf32>
    tpu.vector_store %arg6[%swap3A_242, %swap3A_243], %slice3A_241 {strides = array<i32>} : memref<512x40xf32, #tpu.memory_space<vmem>>, vector<512x1xf32>,
    %get3A_245 = arith.constant 11 : index
    %get3A_246 = arith.constant 0 : index
    %get3A_247 = arith.constant 0 : index
    %get3A_248 = vector.load %arg1[%get3A_245, %get3A_246, %get3A_247] : memref<20x512x128xf32, #tpu.memory_space<vmem>>, vector<1x512x128xf32>
    %get3A_249 = vector.shape_cast %get3A_248 : vector<1x512x128xf32> to vector<512x128xf32>
    %dot_general3A_250 = arith.constant dense<0.000000e+00> : vector<512x32xf32>
    %dot_general3A_251 = tpu.matmul %get3A_249, %get3A_1, %dot_general3A_250 {dimension_numbers = #tpu.dot_dimension_numbers<[1], [0], [0], [1], [0, 0, 1, 1], [], []>, transpose_lhs_hint = false} : vector<512x128xf32>, vector<128x32xf32>, vector<512x32xf32> -> vector<512x32xf32>
    %add3A_252 = vector.broadcast %get3A_4 : vector<1x32xf32> to vector<512x32xf32>
    %add3A_253 = arith.addf %dot_general3A_251, %add3A_252 : vector<512x32xf32>
    %max3A_254 = arith.constant 0.000000e+00 : f32
    %max3A_255 = vector.broadcast %max3A_254 : f32 to vector<512x32xf32>
    %max3A_256 = arith.maximumf %add3A_253, %max3A_255 : vector<512x32xf32>
    %dot_general3A_257 = arith.constant dense<0.000000e+00> : vector<512x2xf32>
    %dot_general3A_258 = tpu.matmul %max3A_256, %get3A_7, %dot_general3A_257 {dimension_numbers = #tpu.dot_dimension_numbers<[1], [0], [0], [1], [0, 0, 1, 1], [], []>, transpose_lhs_hint = false} : vector<512x32xf32>, vector<32x2xf32>, vector<512x2xf32> -> vector<512x2xf32>
    %slice3A_259 = vector.extract_strided_slice %dot_general3A_258 {offsets = [0, 0], sizes = [512, 1], strides = [1, 1]} : vector<512x2xf32> to vector<512x1xf32>
    %swap3A_260 = arith.constant 0 : index
    %swap3A_261 = arith.constant 11 : index
    %swap3A_262 = vector.load %arg6[%swap3A_260, %swap3A_261] : memref<512x40xf32, #tpu.memory_space<vmem>>, vector<512x1xf32>
    tpu.vector_store %arg6[%swap3A_260, %swap3A_261], %slice3A_259 {strides = array<i32>} : memref<512x40xf32, #tpu.memory_space<vmem>>, vector<512x1xf32>,
    %slice3A_263 = vector.extract_strided_slice %dot_general3A_258 {offsets = [0, 1], sizes = [512, 1], strides = [1, 1]} : vector<512x2xf32> to vector<512x1xf32>
    %swap3A_264 = arith.constant 0 : index
    %swap3A_265 = arith.constant 31 : index
    %swap3A_266 = vector.load %arg6[%swap3A_264, %swap3A_265] : memref<512x40xf32, #tpu.memory_space<vmem>>, vector<512x1xf32>
    tpu.vector_store %arg6[%swap3A_264, %swap3A_265], %slice3A_263 {strides = array<i32>} : memref<512x40xf32, #tpu.memory_space<vmem>>, vector<512x1xf32>,
    %get3A_267 = arith.constant 12 : index
    %get3A_268 = arith.constant 0 : index
    %get3A_269 = arith.constant 0 : index
    %get3A_270 = vector.load %arg1[%get3A_267, %get3A_268, %get3A_269] : memref<20x512x128xf32, #tpu.memory_space<vmem>>, vector<1x512x128xf32>
    %get3A_271 = vector.shape_cast %get3A_270 : vector<1x512x128xf32> to vector<512x128xf32>
    %dot_general3A_272 = arith.constant dense<0.000000e+00> : vector<512x32xf32>
    %dot_general3A_273 = tpu.matmul %get3A_271, %get3A_1, %dot_general3A_272 {dimension_numbers = #tpu.dot_dimension_numbers<[1], [0], [0], [1], [0, 0, 1, 1], [], []>, transpose_lhs_hint = false} : vector<512x128xf32>, vector<128x32xf32>, vector<512x32xf32> -> vector<512x32xf32>
    %add3A_274 = vector.broadcast %get3A_4 : vector<1x32xf32> to vector<512x32xf32>
    %add3A_275 = arith.addf %dot_general3A_273, %add3A_274 : vector<512x32xf32>
    %max3A_276 = arith.constant 0.000000e+00 : f32
    %max3A_277 = vector.broadcast %max3A_276 : f32 to vector<512x32xf32>
    %max3A_278 = arith.maximumf %add3A_275, %max3A_277 : vector<512x32xf32>
    %dot_general3A_279 = arith.constant dense<0.000000e+00> : vector<512x2xf32>
    %dot_general3A_280 = tpu.matmul %max3A_278, %get3A_7, %dot_general3A_279 {dimension_numbers = #tpu.dot_dimension_numbers<[1], [0], [0], [1], [0, 0, 1, 1], [], []>, transpose_lhs_hint = false} : vector<512x32xf32>, vector<32x2xf32>, vector<512x2xf32> -> vector<512x2xf32>
    %slice3A_281 = vector.extract_strided_slice %dot_general3A_280 {offsets = [0, 0], sizes = [512, 1], strides = [1, 1]} : vector<512x2xf32> to vector<512x1xf32>
    %swap3A_282 = arith.constant 0 : index
    %swap3A_283 = arith.constant 12 : index
    %swap3A_284 = vector.load %arg6[%swap3A_282, %swap3A_283] : memref<512x40xf32, #tpu.memory_space<vmem>>, vector<512x1xf32>
    tpu.vector_store %arg6[%swap3A_282, %swap3A_283], %slice3A_281 {strides = array<i32>} : memref<512x40xf32, #tpu.memory_space<vmem>>, vector<512x1xf32>,
    %slice3A_285 = vector.extract_strided_slice %dot_general3A_280 {offsets = [0, 1], sizes = [512, 1], strides = [1, 1]} : vector<512x2xf32> to vector<512x1xf32>
    %swap3A_286 = arith.constant 0 : index
    %swap3A_287 = arith.constant 32 : index
    %swap3A_288 = vector.load %arg6[%swap3A_286, %swap3A_287] : memref<512x40xf32, #tpu.memory_space<vmem>>, vector<512x1xf32>
    tpu.vector_store %arg6[%swap3A_286, %swap3A_287], %slice3A_285 {strides = array<i32>} : memref<512x40xf32, #tpu.memory_space<vmem>>, vector<512x1xf32>,
    %get3A_289 = arith.constant 13 : index
    %get3A_290 = arith.constant 0 : index
    %get3A_291 = arith.constant 0 : index
    %get3A_292 = vector.load %arg1[%get3A_289, %get3A_290, %get3A_291] : memref<20x512x128xf32, #tpu.memory_space<vmem>>, vector<1x512x128xf32>
    %get3A_293 = vector.shape_cast %get3A_292 : vector<1x512x128xf32> to vector<512x128xf32>
    %dot_general3A_294 = arith.constant dense<0.000000e+00> : vector<512x32xf32>
    %dot_general3A_295 = tpu.matmul %get3A_293, %get3A_1, %dot_general3A_294 {dimension_numbers = #tpu.dot_dimension_numbers<[1], [0], [0], [1], [0, 0, 1, 1], [], []>, transpose_lhs_hint = false} : vector<512x128xf32>, vector<128x32xf32>, vector<512x32xf32> -> vector<512x32xf32>
    %add3A_296 = vector.broadcast %get3A_4 : vector<1x32xf32> to vector<512x32xf32>
    %add3A_297 = arith.addf %dot_general3A_295, %add3A_296 : vector<512x32xf32>
    %max3A_298 = arith.constant 0.000000e+00 : f32
    %max3A_299 = vector.broadcast %max3A_298 : f32 to vector<512x32xf32>
    %max3A_300 = arith.maximumf %add3A_297, %max3A_299 : vector<512x32xf32>
    %dot_general3A_301 = arith.constant dense<0.000000e+00> : vector<512x2xf32>
    %dot_general3A_302 = tpu.matmul %max3A_300, %get3A_7, %dot_general3A_301 {dimension_numbers = #tpu.dot_dimension_numbers<[1], [0], [0], [1], [0, 0, 1, 1], [], []>, transpose_lhs_hint = false} : vector<512x32xf32>, vector<32x2xf32>, vector<512x2xf32> -> vector<512x2xf32>
    %slice3A_303 = vector.extract_strided_slice %dot_general3A_302 {offsets = [0, 0], sizes = [512, 1], strides = [1, 1]} : vector<512x2xf32> to vector<512x1xf32>
    %swap3A_304 = arith.constant 0 : index
    %swap3A_305 = arith.constant 13 : index
    %swap3A_306 = vector.load %arg6[%swap3A_304, %swap3A_305] : memref<512x40xf32, #tpu.memory_space<vmem>>, vector<512x1xf32>
    tpu.vector_store %arg6[%swap3A_304, %swap3A_305], %slice3A_303 {strides = array<i32>} : memref<512x40xf32, #tpu.memory_space<vmem>>, vector<512x1xf32>,
    %slice3A_307 = vector.extract_strided_slice %dot_general3A_302 {offsets = [0, 1], sizes = [512, 1], strides = [1, 1]} : vector<512x2xf32> to vector<512x1xf32>
    %swap3A_308 = arith.constant 0 : index
    %swap3A_309 = arith.constant 33 : index
    %swap3A_310 = vector.load %arg6[%swap3A_308, %swap3A_309] : memref<512x40xf32, #tpu.memory_space<vmem>>, vector<512x1xf32>
    tpu.vector_store %arg6[%swap3A_308, %swap3A_309], %slice3A_307 {strides = array<i32>} : memref<512x40xf32, #tpu.memory_space<vmem>>, vector<512x1xf32>,
    %get3A_311 = arith.constant 14 : index
    %get3A_312 = arith.constant 0 : index
    %get3A_313 = arith.constant 0 : index
    %get3A_314 = vector.load %arg1[%get3A_311, %get3A_312, %get3A_313] : memref<20x512x128xf32, #tpu.memory_space<vmem>>, vector<1x512x128xf32>
    %get3A_315 = vector.shape_cast %get3A_314 : vector<1x512x128xf32> to vector<512x128xf32>
    %dot_general3A_316 = arith.constant dense<0.000000e+00> : vector<512x32xf32>
    %dot_general3A_317 = tpu.matmul %get3A_315, %get3A_1, %dot_general3A_316 {dimension_numbers = #tpu.dot_dimension_numbers<[1], [0], [0], [1], [0, 0, 1, 1], [], []>, transpose_lhs_hint = false} : vector<512x128xf32>, vector<128x32xf32>, vector<512x32xf32> -> vector<512x32xf32>
    %add3A_318 = vector.broadcast %get3A_4 : vector<1x32xf32> to vector<512x32xf32>
    %add3A_319 = arith.addf %dot_general3A_317, %add3A_318 : vector<512x32xf32>
    %max3A_320 = arith.constant 0.000000e+00 : f32
    %max3A_321 = vector.broadcast %max3A_320 : f32 to vector<512x32xf32>
    %max3A_322 = arith.maximumf %add3A_319, %max3A_321 : vector<512x32xf32>
    %dot_general3A_323 = arith.constant dense<0.000000e+00> : vector<512x2xf32>
    %dot_general3A_324 = tpu.matmul %max3A_322, %get3A_7, %dot_general3A_323 {dimension_numbers = #tpu.dot_dimension_numbers<[1], [0], [0], [1], [0, 0, 1, 1], [], []>, transpose_lhs_hint = false} : vector<512x32xf32>, vector<32x2xf32>, vector<512x2xf32> -> vector<512x2xf32>
    %slice3A_325 = vector.extract_strided_slice %dot_general3A_324 {offsets = [0, 0], sizes = [512, 1], strides = [1, 1]} : vector<512x2xf32> to vector<512x1xf32>
    %swap3A_326 = arith.constant 0 : index
    %swap3A_327 = arith.constant 14 : index
    %swap3A_328 = vector.load %arg6[%swap3A_326, %swap3A_327] : memref<512x40xf32, #tpu.memory_space<vmem>>, vector<512x1xf32>
    tpu.vector_store %arg6[%swap3A_326, %swap3A_327], %slice3A_325 {strides = array<i32>} : memref<512x40xf32, #tpu.memory_space<vmem>>, vector<512x1xf32>,
    %slice3A_329 = vector.extract_strided_slice %dot_general3A_324 {offsets = [0, 1], sizes = [512, 1], strides = [1, 1]} : vector<512x2xf32> to vector<512x1xf32>
    %swap3A_330 = arith.constant 0 : index
    %swap3A_331 = arith.constant 34 : index
    %swap3A_332 = vector.load %arg6[%swap3A_330, %swap3A_331] : memref<512x40xf32, #tpu.memory_space<vmem>>, vector<512x1xf32>
    tpu.vector_store %arg6[%swap3A_330, %swap3A_331], %slice3A_329 {strides = array<i32>} : memref<512x40xf32, #tpu.memory_space<vmem>>, vector<512x1xf32>,
    %get3A_333 = arith.constant 15 : index
    %get3A_334 = arith.constant 0 : index
    %get3A_335 = arith.constant 0 : index
    %get3A_336 = vector.load %arg1[%get3A_333, %get3A_334, %get3A_335] : memref<20x512x128xf32, #tpu.memory_space<vmem>>, vector<1x512x128xf32>
    %get3A_337 = vector.shape_cast %get3A_336 : vector<1x512x128xf32> to vector<512x128xf32>
    %dot_general3A_338 = arith.constant dense<0.000000e+00> : vector<512x32xf32>
    %dot_general3A_339 = tpu.matmul %get3A_337, %get3A_1, %dot_general3A_338 {dimension_numbers = #tpu.dot_dimension_numbers<[1], [0], [0], [1], [0, 0, 1, 1], [], []>, transpose_lhs_hint = false} : vector<512x128xf32>, vector<128x32xf32>, vector<512x32xf32> -> vector<512x32xf32>
    %add3A_340 = vector.broadcast %get3A_4 : vector<1x32xf32> to vector<512x32xf32>
    %add3A_341 = arith.addf %dot_general3A_339, %add3A_340 : vector<512x32xf32>
    %max3A_342 = arith.constant 0.000000e+00 : f32
    %max3A_343 = vector.broadcast %max3A_342 : f32 to vector<512x32xf32>
    %max3A_344 = arith.maximumf %add3A_341, %max3A_343 : vector<512x32xf32>
    %dot_general3A_345 = arith.constant dense<0.000000e+00> : vector<512x2xf32>
    %dot_general3A_346 = tpu.matmul %max3A_344, %get3A_7, %dot_general3A_345 {dimension_numbers = #tpu.dot_dimension_numbers<[1], [0], [0], [1], [0, 0, 1, 1], [], []>, transpose_lhs_hint = false} : vector<512x32xf32>, vector<32x2xf32>, vector<512x2xf32> -> vector<512x2xf32>
    %slice3A_347 = vector.extract_strided_slice %dot_general3A_346 {offsets = [0, 0], sizes = [512, 1], strides = [1, 1]} : vector<512x2xf32> to vector<512x1xf32>
    %swap3A_348 = arith.constant 0 : index
    %swap3A_349 = arith.constant 15 : index
    %swap3A_350 = vector.load %arg6[%swap3A_348, %swap3A_349] : memref<512x40xf32, #tpu.memory_space<vmem>>, vector<512x1xf32>
    tpu.vector_store %arg6[%swap3A_348, %swap3A_349], %slice3A_347 {strides = array<i32>} : memref<512x40xf32, #tpu.memory_space<vmem>>, vector<512x1xf32>,
    %slice3A_351 = vector.extract_strided_slice %dot_general3A_346 {offsets = [0, 1], sizes = [512, 1], strides = [1, 1]} : vector<512x2xf32> to vector<512x1xf32>
    %swap3A_352 = arith.constant 0 : index
    %swap3A_353 = arith.constant 35 : index
    %swap3A_354 = vector.load %arg6[%swap3A_352, %swap3A_353] : memref<512x40xf32, #tpu.memory_space<vmem>>, vector<512x1xf32>
    tpu.vector_store %arg6[%swap3A_352, %swap3A_353], %slice3A_351 {strides = array<i32>} : memref<512x40xf32, #tpu.memory_space<vmem>>, vector<512x1xf32>,
    %get3A_355 = arith.constant 16 : index
    %get3A_356 = arith.constant 0 : index
    %get3A_357 = arith.constant 0 : index
    %get3A_358 = vector.load %arg1[%get3A_355, %get3A_356, %get3A_357] : memref<20x512x128xf32, #tpu.memory_space<vmem>>, vector<1x512x128xf32>
    %get3A_359 = vector.shape_cast %get3A_358 : vector<1x512x128xf32> to vector<512x128xf32>
    %dot_general3A_360 = arith.constant dense<0.000000e+00> : vector<512x32xf32>
    %dot_general3A_361 = tpu.matmul %get3A_359, %get3A_1, %dot_general3A_360 {dimension_numbers = #tpu.dot_dimension_numbers<[1], [0], [0], [1], [0, 0, 1, 1], [], []>, transpose_lhs_hint = false} : vector<512x128xf32>, vector<128x32xf32>, vector<512x32xf32> -> vector<512x32xf32>
    %add3A_362 = vector.broadcast %get3A_4 : vector<1x32xf32> to vector<512x32xf32>
    %add3A_363 = arith.addf %dot_general3A_361, %add3A_362 : vector<512x32xf32>
    %max3A_364 = arith.constant 0.000000e+00 : f32
    %max3A_365 = vector.broadcast %max3A_364 : f32 to vector<512x32xf32>
    %max3A_366 = arith.maximumf %add3A_363, %max3A_365 : vector<512x32xf32>
    %dot_general3A_367 = arith.constant dense<0.000000e+00> : vector<512x2xf32>
    %dot_general3A_368 = tpu.matmul %max3A_366, %get3A_7, %dot_general3A_367 {dimension_numbers = #tpu.dot_dimension_numbers<[1], [0], [0], [1], [0, 0, 1, 1], [], []>, transpose_lhs_hint = false} : vector<512x32xf32>, vector<32x2xf32>, vector<512x2xf32> -> vector<512x2xf32>
    %slice3A_369 = vector.extract_strided_slice %dot_general3A_368 {offsets = [0, 0], sizes = [512, 1], strides = [1, 1]} : vector<512x2xf32> to vector<512x1xf32>
    %swap3A_370 = arith.constant 0 : index
    %swap3A_371 = arith.constant 16 : index
    %swap3A_372 = vector.load %arg6[%swap3A_370, %swap3A_371] : memref<512x40xf32, #tpu.memory_space<vmem>>, vector<512x1xf32>
    tpu.vector_store %arg6[%swap3A_370, %swap3A_371], %slice3A_369 {strides = array<i32>} : memref<512x40xf32, #tpu.memory_space<vmem>>, vector<512x1xf32>,
    %slice3A_373 = vector.extract_strided_slice %dot_general3A_368 {offsets = [0, 1], sizes = [512, 1], strides = [1, 1]} : vector<512x2xf32> to vector<512x1xf32>
    %swap3A_374 = arith.constant 0 : index
    %swap3A_375 = arith.constant 36 : index
    %swap3A_376 = vector.load %arg6[%swap3A_374, %swap3A_375] : memref<512x40xf32, #tpu.memory_space<vmem>>, vector<512x1xf32>
    tpu.vector_store %arg6[%swap3A_374, %swap3A_375], %slice3A_373 {strides = array<i32>} : memref<512x40xf32, #tpu.memory_space<vmem>>, vector<512x1xf32>,
    %get3A_377 = arith.constant 17 : index
    %get3A_378 = arith.constant 0 : index
    %get3A_379 = arith.constant 0 : index
    %get3A_380 = vector.load %arg1[%get3A_377, %get3A_378, %get3A_379] : memref<20x512x128xf32, #tpu.memory_space<vmem>>, vector<1x512x128xf32>
    %get3A_381 = vector.shape_cast %get3A_380 : vector<1x512x128xf32> to vector<512x128xf32>
    %dot_general3A_382 = arith.constant dense<0.000000e+00> : vector<512x32xf32>
    %dot_general3A_383 = tpu.matmul %get3A_381, %get3A_1, %dot_general3A_382 {dimension_numbers = #tpu.dot_dimension_numbers<[1], [0], [0], [1], [0, 0, 1, 1], [], []>, transpose_lhs_hint = false} : vector<512x128xf32>, vector<128x32xf32>, vector<512x32xf32> -> vector<512x32xf32>
    %add3A_384 = vector.broadcast %get3A_4 : vector<1x32xf32> to vector<512x32xf32>
    %add3A_385 = arith.addf %dot_general3A_383, %add3A_384 : vector<512x32xf32>
    %max3A_386 = arith.constant 0.000000e+00 : f32
    %max3A_387 = vector.broadcast %max3A_386 : f32 to vector<512x32xf32>
    %max3A_388 = arith.maximumf %add3A_385, %max3A_387 : vector<512x32xf32>
    %dot_general3A_389 = arith.constant dense<0.000000e+00> : vector<512x2xf32>
    %dot_general3A_390 = tpu.matmul %max3A_388, %get3A_7, %dot_general3A_389 {dimension_numbers = #tpu.dot_dimension_numbers<[1], [0], [0], [1], [0, 0, 1, 1], [], []>, transpose_lhs_hint = false} : vector<512x32xf32>, vector<32x2xf32>, vector<512x2xf32> -> vector<512x2xf32>
    %slice3A_391 = vector.extract_strided_slice %dot_general3A_390 {offsets = [0, 0], sizes = [512, 1], strides = [1, 1]} : vector<512x2xf32> to vector<512x1xf32>
    %swap3A_392 = arith.constant 0 : index
    %swap3A_393 = arith.constant 17 : index
    %swap3A_394 = vector.load %arg6[%swap3A_392, %swap3A_393] : memref<512x40xf32, #tpu.memory_space<vmem>>, vector<512x1xf32>
    tpu.vector_store %arg6[%swap3A_392, %swap3A_393], %slice3A_391 {strides = array<i32>} : memref<512x40xf32, #tpu.memory_space<vmem>>, vector<512x1xf32>,
    %slice3A_395 = vector.extract_strided_slice %dot_general3A_390 {offsets = [0, 1], sizes = [512, 1], strides = [1, 1]} : vector<512x2xf32> to vector<512x1xf32>
    %swap3A_396 = arith.constant 0 : index
    %swap3A_397 = arith.constant 37 : index
    %swap3A_398 = vector.load %arg6[%swap3A_396, %swap3A_397] : memref<512x40xf32, #tpu.memory_space<vmem>>, vector<512x1xf32>
    tpu.vector_store %arg6[%swap3A_396, %swap3A_397], %slice3A_395 {strides = array<i32>} : memref<512x40xf32, #tpu.memory_space<vmem>>, vector<512x1xf32>,
    %get3A_399 = arith.constant 18 : index
    %get3A_400 = arith.constant 0 : index
    %get3A_401 = arith.constant 0 : index
    %get3A_402 = vector.load %arg1[%get3A_399, %get3A_400, %get3A_401] : memref<20x512x128xf32, #tpu.memory_space<vmem>>, vector<1x512x128xf32>
    %get3A_403 = vector.shape_cast %get3A_402 : vector<1x512x128xf32> to vector<512x128xf32>
    %dot_general3A_404 = arith.constant dense<0.000000e+00> : vector<512x32xf32>
    %dot_general3A_405 = tpu.matmul %get3A_403, %get3A_1, %dot_general3A_404 {dimension_numbers = #tpu.dot_dimension_numbers<[1], [0], [0], [1], [0, 0, 1, 1], [], []>, transpose_lhs_hint = false} : vector<512x128xf32>, vector<128x32xf32>, vector<512x32xf32> -> vector<512x32xf32>
    %add3A_406 = vector.broadcast %get3A_4 : vector<1x32xf32> to vector<512x32xf32>
    %add3A_407 = arith.addf %dot_general3A_405, %add3A_406 : vector<512x32xf32>
    %max3A_408 = arith.constant 0.000000e+00 : f32
    %max3A_409 = vector.broadcast %max3A_408 : f32 to vector<512x32xf32>
    %max3A_410 = arith.maximumf %add3A_407, %max3A_409 : vector<512x32xf32>
    %dot_general3A_411 = arith.constant dense<0.000000e+00> : vector<512x2xf32>
    %dot_general3A_412 = tpu.matmul %max3A_410, %get3A_7, %dot_general3A_411 {dimension_numbers = #tpu.dot_dimension_numbers<[1], [0], [0], [1], [0, 0, 1, 1], [], []>, transpose_lhs_hint = false} : vector<512x32xf32>, vector<32x2xf32>, vector<512x2xf32> -> vector<512x2xf32>
    %slice3A_413 = vector.extract_strided_slice %dot_general3A_412 {offsets = [0, 0], sizes = [512, 1], strides = [1, 1]} : vector<512x2xf32> to vector<512x1xf32>
    %swap3A_414 = arith.constant 0 : index
    %swap3A_415 = arith.constant 18 : index
    %swap3A_416 = vector.load %arg6[%swap3A_414, %swap3A_415] : memref<512x40xf32, #tpu.memory_space<vmem>>, vector<512x1xf32>
    tpu.vector_store %arg6[%swap3A_414, %swap3A_415], %slice3A_413 {strides = array<i32>} : memref<512x40xf32, #tpu.memory_space<vmem>>, vector<512x1xf32>,
    %slice3A_417 = vector.extract_strided_slice %dot_general3A_412 {offsets = [0, 1], sizes = [512, 1], strides = [1, 1]} : vector<512x2xf32> to vector<512x1xf32>
    %swap3A_418 = arith.constant 0 : index
    %swap3A_419 = arith.constant 38 : index
    %swap3A_420 = vector.load %arg6[%swap3A_418, %swap3A_419] : memref<512x40xf32, #tpu.memory_space<vmem>>, vector<512x1xf32>
    tpu.vector_store %arg6[%swap3A_418, %swap3A_419], %slice3A_417 {strides = array<i32>} : memref<512x40xf32, #tpu.memory_space<vmem>>, vector<512x1xf32>,
    %get3A_421 = arith.constant 19 : index
    %get3A_422 = arith.constant 0 : index
    %get3A_423 = arith.constant 0 : index
    %get3A_424 = vector.load %arg1[%get3A_421, %get3A_422, %get3A_423] : memref<20x512x128xf32, #tpu.memory_space<vmem>>, vector<1x512x128xf32>
    %get3A_425 = vector.shape_cast %get3A_424 : vector<1x512x128xf32> to vector<512x128xf32>
    %dot_general3A_426 = arith.constant dense<0.000000e+00> : vector<512x32xf32>
    %dot_general3A_427 = tpu.matmul %get3A_425, %get3A_1, %dot_general3A_426 {dimension_numbers = #tpu.dot_dimension_numbers<[1], [0], [0], [1], [0, 0, 1, 1], [], []>, transpose_lhs_hint = false} : vector<512x128xf32>, vector<128x32xf32>, vector<512x32xf32> -> vector<512x32xf32>
    %add3A_428 = vector.broadcast %get3A_4 : vector<1x32xf32> to vector<512x32xf32>
    %add3A_429 = arith.addf %dot_general3A_427, %add3A_428 : vector<512x32xf32>
    %max3A_430 = arith.constant 0.000000e+00 : f32
    %max3A_431 = vector.broadcast %max3A_430 : f32 to vector<512x32xf32>
    %max3A_432 = arith.maximumf %add3A_429, %max3A_431 : vector<512x32xf32>
    %dot_general3A_433 = arith.constant dense<0.000000e+00> : vector<512x2xf32>
    %dot_general3A_434 = tpu.matmul %max3A_432, %get3A_7, %dot_general3A_433 {dimension_numbers = #tpu.dot_dimension_numbers<[1], [0], [0], [1], [0, 0, 1, 1], [], []>, transpose_lhs_hint = false} : vector<512x32xf32>, vector<32x2xf32>, vector<512x2xf32> -> vector<512x2xf32>
    %slice3A_435 = vector.extract_strided_slice %dot_general3A_434 {offsets = [0, 0], sizes = [512, 1], strides = [1, 1]} : vector<512x2xf32> to vector<512x1xf32>
    %swap3A_436 = arith.constant 0 : index
    %swap3A_437 = arith.constant 19 : index
    %swap3A_438 = vector.load %arg6[%swap3A_436, %swap3A_437] : memref<512x40xf32, #tpu.memory_space<vmem>>, vector<512x1xf32>
    tpu.vector_store %arg6[%swap3A_436, %swap3A_437], %slice3A_435 {strides = array<i32>} : memref<512x40xf32, #tpu.memory_space<vmem>>, vector<512x1xf32>,
    %slice3A_439 = vector.extract_strided_slice %dot_general3A_434 {offsets = [0, 1], sizes = [512, 1], strides = [1, 1]} : vector<512x2xf32> to vector<512x1xf32>
    %swap3A_440 = arith.constant 0 : index
    %swap3A_441 = arith.constant 39 : index
    %swap3A_442 = vector.load %arg6[%swap3A_440, %swap3A_441] : memref<512x40xf32, #tpu.memory_space<vmem>>, vector<512x1xf32>
    tpu.vector_store %arg6[%swap3A_440, %swap3A_441], %slice3A_439 {strides = array<i32>} : memref<512x40xf32, #tpu.memory_space<vmem>>, vector<512x1xf32>,
    %get3A_443 = arith.constant 0 : index
    %get3A_444 = arith.constant 0 : index
    %get3A_445 = vector.load %arg6[%get3A_443, %get3A_444] : memref<512x40xf32, #tpu.memory_space<vmem>>, vector<512x40xf32>
    %slice3A_446 = vector.extract_strided_slice %get3A_445 {offsets = [0, 0], sizes = [512, 20], strides = [1, 1]} : vector<512x40xf32> to vector<512x20xf32>
    %slice3A_447 = vector.extract_strided_slice %get3A_445 {offsets = [0, 20], sizes = [512, 20], strides = [1, 1]} : vector<512x40xf32> to vector<512x20xf32>
    %reduce_max3A = arith.constant dense<0xFF800000> : vector<512xf32>
    %reduce_max3A_448 = vector.multi_reduction <maximumf>, %slice3A_446, %reduce_max3A [1] : vector<512x20xf32> to vector<512xf32>
    %broadcast_in_dim3A = vector.shape_cast %reduce_max3A_448 : vector<512xf32> to vector<512x1xf32>
    %sub3A = vector.broadcast %broadcast_in_dim3A : vector<512x1xf32> to vector<512x20xf32>
    %sub3A_449 = arith.subf %slice3A_446, %sub3A : vector<512x20xf32>
    %exp3A = math.exp %sub3A_449 : vector<512x20xf32>
    %reduce_sum3A = arith.constant dense<0.000000e+00> : vector<512xf32>
    %reduce_sum3A_450 = vector.multi_reduction <add>, %exp3A, %reduce_sum3A [1] : vector<512x20xf32> to vector<512xf32>
    %broadcast_in_dim3A_451 = vector.shape_cast %reduce_sum3A_450 : vector<512xf32> to vector<512x1xf32>
    %div3A = vector.broadcast %broadcast_in_dim3A_451 : vector<512x1xf32> to vector<512x20xf32>
    %div3A_452 = arith.divf %exp3A, %div3A : vector<512x20xf32>
    %reduce_max3A_453 = arith.constant dense<0xFF800000> : vector<512xf32>
    %reduce_max3A_454 = vector.multi_reduction <maximumf>, %slice3A_447, %reduce_max3A_453 [1] : vector<512x20xf32> to vector<512xf32>
    %broadcast_in_dim3A_455 = vector.shape_cast %reduce_max3A_454 : vector<512xf32> to vector<512x1xf32>
    %sub3A_456 = vector.broadcast %broadcast_in_dim3A_455 : vector<512x1xf32> to vector<512x20xf32>
    %sub3A_457 = arith.subf %slice3A_447, %sub3A_456 : vector<512x20xf32>
    %exp3A_458 = math.exp %sub3A_457 : vector<512x20xf32>
    %reduce_sum3A_459 = arith.constant dense<0.000000e+00> : vector<512xf32>
    %reduce_sum3A_460 = vector.multi_reduction <add>, %exp3A_458, %reduce_sum3A_459 [1] : vector<512x20xf32> to vector<512xf32>
    %broadcast_in_dim3A_461 = vector.shape_cast %reduce_sum3A_460 : vector<512xf32> to vector<512x1xf32>
    %div3A_462 = vector.broadcast %broadcast_in_dim3A_461 : vector<512x1xf32> to vector<512x20xf32>
    %div3A_463 = arith.divf %exp3A_458, %div3A_462 : vector<512x20xf32>
    %iota3A = tpu.iota {dimensions = array<i32: 1>} : vector<512x128xi32>
    %lt3A = arith.constant 64 : i32
    %lt3A_464 = vector.broadcast %lt3A : i32 to vector<512x128xi32>
    %lt3A_465 = arith.cmpi slt, %iota3A, %lt3A_464 : vector<512x128xi32>
    %broadcast_in_dim3A_466 = arith.constant 0.000000e+00 : f32
    %broadcast_in_dim3A_467 = vector.broadcast %broadcast_in_dim3A_466 : f32 to vector<512x128xf32>
    %slice3A_468 = vector.extract_strided_slice %div3A_452 {offsets = [0, 0], sizes = [512, 1], strides = [1, 1]} : vector<512x20xf32> to vector<512x1xf32>
    %slice3A_469 = vector.extract_strided_slice %div3A_463 {offsets = [0, 0], sizes = [512, 1], strides = [1, 1]} : vector<512x20xf32> to vector<512x1xf32>
    %broadcast_in_dim3A_470 = vector.shape_cast %slice3A_468 : vector<512x1xf32> to vector<512x1xf32>
    %broadcast_in_dim3A_471 = vector.broadcast %broadcast_in_dim3A_470 : vector<512x1xf32> to vector<512x128xf32>
    %broadcast_in_dim3A_472 = vector.shape_cast %slice3A_469 : vector<512x1xf32> to vector<512x1xf32>
    %broadcast_in_dim3A_473 = vector.broadcast %broadcast_in_dim3A_472 : vector<512x1xf32> to vector<512x128xf32>
    %select_n3A = arith.select %lt3A_465, %broadcast_in_dim3A_471, %broadcast_in_dim3A_473 : vector<512x128xi1>, vector<512x128xf32>
    %get3A_474 = arith.constant 0 : index
    %get3A_475 = arith.constant 0 : index
    %get3A_476 = arith.constant 0 : index
    %get3A_477 = vector.load %arg1[%get3A_474, %get3A_475, %get3A_476] : memref<20x512x128xf32, #tpu.memory_space<vmem>>, vector<1x512x128xf32>
    %get3A_478 = vector.shape_cast %get3A_477 : vector<1x512x128xf32> to vector<512x128xf32>
    %mul3A = arith.mulf %select_n3A, %get3A_478 : vector<512x128xf32>
    %add3A_479 = arith.addf %broadcast_in_dim3A_467, %mul3A : vector<512x128xf32>
    %slice3A_480 = vector.extract_strided_slice %div3A_452 {offsets = [0, 1], sizes = [512, 1], strides = [1, 1]} : vector<512x20xf32> to vector<512x1xf32>
    %slice3A_481 = vector.extract_strided_slice %div3A_463 {offsets = [0, 1], sizes = [512, 1], strides = [1, 1]} : vector<512x20xf32> to vector<512x1xf32>
    %broadcast_in_dim3A_482 = vector.shape_cast %slice3A_480 : vector<512x1xf32> to vector<512x1xf32>
    %broadcast_in_dim3A_483 = vector.broadcast %broadcast_in_dim3A_482 : vector<512x1xf32> to vector<512x128xf32>
    %broadcast_in_dim3A_484 = vector.shape_cast %slice3A_481 : vector<512x1xf32> to vector<512x1xf32>
    %broadcast_in_dim3A_485 = vector.broadcast %broadcast_in_dim3A_484 : vector<512x1xf32> to vector<512x128xf32>
    %select_n3A_486 = arith.select %lt3A_465, %broadcast_in_dim3A_483, %broadcast_in_dim3A_485 : vector<512x128xi1>, vector<512x128xf32>
    %get3A_487 = arith.constant 1 : index
    %get3A_488 = arith.constant 0 : index
    %get3A_489 = arith.constant 0 : index
    %get3A_490 = vector.load %arg1[%get3A_487, %get3A_488, %get3A_489] : memref<20x512x128xf32, #tpu.memory_space<vmem>>, vector<1x512x128xf32>
    %get3A_491 = vector.shape_cast %get3A_490 : vector<1x512x128xf32> to vector<512x128xf32>
    %mul3A_492 = arith.mulf %select_n3A_486, %get3A_491 : vector<512x128xf32>
    %add3A_493 = arith.addf %add3A_479, %mul3A_492 : vector<512x128xf32>
    %slice3A_494 = vector.extract_strided_slice %div3A_452 {offsets = [0, 2], sizes = [512, 1], strides = [1, 1]} : vector<512x20xf32> to vector<512x1xf32>
    %slice3A_495 = vector.extract_strided_slice %div3A_463 {offsets = [0, 2], sizes = [512, 1], strides = [1, 1]} : vector<512x20xf32> to vector<512x1xf32>
    %broadcast_in_dim3A_496 = vector.shape_cast %slice3A_494 : vector<512x1xf32> to vector<512x1xf32>
    %broadcast_in_dim3A_497 = vector.broadcast %broadcast_in_dim3A_496 : vector<512x1xf32> to vector<512x128xf32>
    %broadcast_in_dim3A_498 = vector.shape_cast %slice3A_495 : vector<512x1xf32> to vector<512x1xf32>
    %broadcast_in_dim3A_499 = vector.broadcast %broadcast_in_dim3A_498 : vector<512x1xf32> to vector<512x128xf32>
    %select_n3A_500 = arith.select %lt3A_465, %broadcast_in_dim3A_497, %broadcast_in_dim3A_499 : vector<512x128xi1>, vector<512x128xf32>
    %get3A_501 = arith.constant 2 : index
    %get3A_502 = arith.constant 0 : index
    %get3A_503 = arith.constant 0 : index
    %get3A_504 = vector.load %arg1[%get3A_501, %get3A_502, %get3A_503] : memref<20x512x128xf32, #tpu.memory_space<vmem>>, vector<1x512x128xf32>
    %get3A_505 = vector.shape_cast %get3A_504 : vector<1x512x128xf32> to vector<512x128xf32>
    %mul3A_506 = arith.mulf %select_n3A_500, %get3A_505 : vector<512x128xf32>
    %add3A_507 = arith.addf %add3A_493, %mul3A_506 : vector<512x128xf32>
    %slice3A_508 = vector.extract_strided_slice %div3A_452 {offsets = [0, 3], sizes = [512, 1], strides = [1, 1]} : vector<512x20xf32> to vector<512x1xf32>
    %slice3A_509 = vector.extract_strided_slice %div3A_463 {offsets = [0, 3], sizes = [512, 1], strides = [1, 1]} : vector<512x20xf32> to vector<512x1xf32>
    %broadcast_in_dim3A_510 = vector.shape_cast %slice3A_508 : vector<512x1xf32> to vector<512x1xf32>
    %broadcast_in_dim3A_511 = vector.broadcast %broadcast_in_dim3A_510 : vector<512x1xf32> to vector<512x128xf32>
    %broadcast_in_dim3A_512 = vector.shape_cast %slice3A_509 : vector<512x1xf32> to vector<512x1xf32>
    %broadcast_in_dim3A_513 = vector.broadcast %broadcast_in_dim3A_512 : vector<512x1xf32> to vector<512x128xf32>
    %select_n3A_514 = arith.select %lt3A_465, %broadcast_in_dim3A_511, %broadcast_in_dim3A_513 : vector<512x128xi1>, vector<512x128xf32>
    %get3A_515 = arith.constant 3 : index
    %get3A_516 = arith.constant 0 : index
    %get3A_517 = arith.constant 0 : index
    %get3A_518 = vector.load %arg1[%get3A_515, %get3A_516, %get3A_517] : memref<20x512x128xf32, #tpu.memory_space<vmem>>, vector<1x512x128xf32>
    %get3A_519 = vector.shape_cast %get3A_518 : vector<1x512x128xf32> to vector<512x128xf32>
    %mul3A_520 = arith.mulf %select_n3A_514, %get3A_519 : vector<512x128xf32>
    %add3A_521 = arith.addf %add3A_507, %mul3A_520 : vector<512x128xf32>
    %slice3A_522 = vector.extract_strided_slice %div3A_452 {offsets = [0, 4], sizes = [512, 1], strides = [1, 1]} : vector<512x20xf32> to vector<512x1xf32>
    %slice3A_523 = vector.extract_strided_slice %div3A_463 {offsets = [0, 4], sizes = [512, 1], strides = [1, 1]} : vector<512x20xf32> to vector<512x1xf32>
    %broadcast_in_dim3A_524 = vector.shape_cast %slice3A_522 : vector<512x1xf32> to vector<512x1xf32>
    %broadcast_in_dim3A_525 = vector.broadcast %broadcast_in_dim3A_524 : vector<512x1xf32> to vector<512x128xf32>
    %broadcast_in_dim3A_526 = vector.shape_cast %slice3A_523 : vector<512x1xf32> to vector<512x1xf32>
    %broadcast_in_dim3A_527 = vector.broadcast %broadcast_in_dim3A_526 : vector<512x1xf32> to vector<512x128xf32>
    %select_n3A_528 = arith.select %lt3A_465, %broadcast_in_dim3A_525, %broadcast_in_dim3A_527 : vector<512x128xi1>, vector<512x128xf32>
    %get3A_529 = arith.constant 4 : index
    %get3A_530 = arith.constant 0 : index
    %get3A_531 = arith.constant 0 : index
    %get3A_532 = vector.load %arg1[%get3A_529, %get3A_530, %get3A_531] : memref<20x512x128xf32, #tpu.memory_space<vmem>>, vector<1x512x128xf32>
    %get3A_533 = vector.shape_cast %get3A_532 : vector<1x512x128xf32> to vector<512x128xf32>
    %mul3A_534 = arith.mulf %select_n3A_528, %get3A_533 : vector<512x128xf32>
    %add3A_535 = arith.addf %add3A_521, %mul3A_534 : vector<512x128xf32>
    %slice3A_536 = vector.extract_strided_slice %div3A_452 {offsets = [0, 5], sizes = [512, 1], strides = [1, 1]} : vector<512x20xf32> to vector<512x1xf32>
    %slice3A_537 = vector.extract_strided_slice %div3A_463 {offsets = [0, 5], sizes = [512, 1], strides = [1, 1]} : vector<512x20xf32> to vector<512x1xf32>
    %broadcast_in_dim3A_538 = vector.shape_cast %slice3A_536 : vector<512x1xf32> to vector<512x1xf32>
    %broadcast_in_dim3A_539 = vector.broadcast %broadcast_in_dim3A_538 : vector<512x1xf32> to vector<512x128xf32>
    %broadcast_in_dim3A_540 = vector.shape_cast %slice3A_537 : vector<512x1xf32> to vector<512x1xf32>
    %broadcast_in_dim3A_541 = vector.broadcast %broadcast_in_dim3A_540 : vector<512x1xf32> to vector<512x128xf32>
    %select_n3A_542 = arith.select %lt3A_465, %broadcast_in_dim3A_539, %broadcast_in_dim3A_541 : vector<512x128xi1>, vector<512x128xf32>
    %get3A_543 = arith.constant 5 : index
    %get3A_544 = arith.constant 0 : index
    %get3A_545 = arith.constant 0 : index
    %get3A_546 = vector.load %arg1[%get3A_543, %get3A_544, %get3A_545] : memref<20x512x128xf32, #tpu.memory_space<vmem>>, vector<1x512x128xf32>
    %get3A_547 = vector.shape_cast %get3A_546 : vector<1x512x128xf32> to vector<512x128xf32>
    %mul3A_548 = arith.mulf %select_n3A_542, %get3A_547 : vector<512x128xf32>
    %add3A_549 = arith.addf %add3A_535, %mul3A_548 : vector<512x128xf32>
    %slice3A_550 = vector.extract_strided_slice %div3A_452 {offsets = [0, 6], sizes = [512, 1], strides = [1, 1]} : vector<512x20xf32> to vector<512x1xf32>
    %slice3A_551 = vector.extract_strided_slice %div3A_463 {offsets = [0, 6], sizes = [512, 1], strides = [1, 1]} : vector<512x20xf32> to vector<512x1xf32>
    %broadcast_in_dim3A_552 = vector.shape_cast %slice3A_550 : vector<512x1xf32> to vector<512x1xf32>
    %broadcast_in_dim3A_553 = vector.broadcast %broadcast_in_dim3A_552 : vector<512x1xf32> to vector<512x128xf32>
    %broadcast_in_dim3A_554 = vector.shape_cast %slice3A_551 : vector<512x1xf32> to vector<512x1xf32>
    %broadcast_in_dim3A_555 = vector.broadcast %broadcast_in_dim3A_554 : vector<512x1xf32> to vector<512x128xf32>
    %select_n3A_556 = arith.select %lt3A_465, %broadcast_in_dim3A_553, %broadcast_in_dim3A_555 : vector<512x128xi1>, vector<512x128xf32>
    %get3A_557 = arith.constant 6 : index
    %get3A_558 = arith.constant 0 : index
    %get3A_559 = arith.constant 0 : index
    %get3A_560 = vector.load %arg1[%get3A_557, %get3A_558, %get3A_559] : memref<20x512x128xf32, #tpu.memory_space<vmem>>, vector<1x512x128xf32>
    %get3A_561 = vector.shape_cast %get3A_560 : vector<1x512x128xf32> to vector<512x128xf32>
    %mul3A_562 = arith.mulf %select_n3A_556, %get3A_561 : vector<512x128xf32>
    %add3A_563 = arith.addf %add3A_549, %mul3A_562 : vector<512x128xf32>
    %slice3A_564 = vector.extract_strided_slice %div3A_452 {offsets = [0, 7], sizes = [512, 1], strides = [1, 1]} : vector<512x20xf32> to vector<512x1xf32>
    %slice3A_565 = vector.extract_strided_slice %div3A_463 {offsets = [0, 7], sizes = [512, 1], strides = [1, 1]} : vector<512x20xf32> to vector<512x1xf32>
    %broadcast_in_dim3A_566 = vector.shape_cast %slice3A_564 : vector<512x1xf32> to vector<512x1xf32>
    %broadcast_in_dim3A_567 = vector.broadcast %broadcast_in_dim3A_566 : vector<512x1xf32> to vector<512x128xf32>
    %broadcast_in_dim3A_568 = vector.shape_cast %slice3A_565 : vector<512x1xf32> to vector<512x1xf32>
    %broadcast_in_dim3A_569 = vector.broadcast %broadcast_in_dim3A_568 : vector<512x1xf32> to vector<512x128xf32>
    %select_n3A_570 = arith.select %lt3A_465, %broadcast_in_dim3A_567, %broadcast_in_dim3A_569 : vector<512x128xi1>, vector<512x128xf32>
    %get3A_571 = arith.constant 7 : index
    %get3A_572 = arith.constant 0 : index
    %get3A_573 = arith.constant 0 : index
    %get3A_574 = vector.load %arg1[%get3A_571, %get3A_572, %get3A_573] : memref<20x512x128xf32, #tpu.memory_space<vmem>>, vector<1x512x128xf32>
    %get3A_575 = vector.shape_cast %get3A_574 : vector<1x512x128xf32> to vector<512x128xf32>
    %mul3A_576 = arith.mulf %select_n3A_570, %get3A_575 : vector<512x128xf32>
    %add3A_577 = arith.addf %add3A_563, %mul3A_576 : vector<512x128xf32>
    %slice3A_578 = vector.extract_strided_slice %div3A_452 {offsets = [0, 8], sizes = [512, 1], strides = [1, 1]} : vector<512x20xf32> to vector<512x1xf32>
    %slice3A_579 = vector.extract_strided_slice %div3A_463 {offsets = [0, 8], sizes = [512, 1], strides = [1, 1]} : vector<512x20xf32> to vector<512x1xf32>
    %broadcast_in_dim3A_580 = vector.shape_cast %slice3A_578 : vector<512x1xf32> to vector<512x1xf32>
    %broadcast_in_dim3A_581 = vector.broadcast %broadcast_in_dim3A_580 : vector<512x1xf32> to vector<512x128xf32>
    %broadcast_in_dim3A_582 = vector.shape_cast %slice3A_579 : vector<512x1xf32> to vector<512x1xf32>
    %broadcast_in_dim3A_583 = vector.broadcast %broadcast_in_dim3A_582 : vector<512x1xf32> to vector<512x128xf32>
    %select_n3A_584 = arith.select %lt3A_465, %broadcast_in_dim3A_581, %broadcast_in_dim3A_583 : vector<512x128xi1>, vector<512x128xf32>
    %get3A_585 = arith.constant 8 : index
    %get3A_586 = arith.constant 0 : index
    %get3A_587 = arith.constant 0 : index
    %get3A_588 = vector.load %arg1[%get3A_585, %get3A_586, %get3A_587] : memref<20x512x128xf32, #tpu.memory_space<vmem>>, vector<1x512x128xf32>
    %get3A_589 = vector.shape_cast %get3A_588 : vector<1x512x128xf32> to vector<512x128xf32>
    %mul3A_590 = arith.mulf %select_n3A_584, %get3A_589 : vector<512x128xf32>
    %add3A_591 = arith.addf %add3A_577, %mul3A_590 : vector<512x128xf32>
    %slice3A_592 = vector.extract_strided_slice %div3A_452 {offsets = [0, 9], sizes = [512, 1], strides = [1, 1]} : vector<512x20xf32> to vector<512x1xf32>
    %slice3A_593 = vector.extract_strided_slice %div3A_463 {offsets = [0, 9], sizes = [512, 1], strides = [1, 1]} : vector<512x20xf32> to vector<512x1xf32>
    %broadcast_in_dim3A_594 = vector.shape_cast %slice3A_592 : vector<512x1xf32> to vector<512x1xf32>
    %broadcast_in_dim3A_595 = vector.broadcast %broadcast_in_dim3A_594 : vector<512x1xf32> to vector<512x128xf32>
    %broadcast_in_dim3A_596 = vector.shape_cast %slice3A_593 : vector<512x1xf32> to vector<512x1xf32>
    %broadcast_in_dim3A_597 = vector.broadcast %broadcast_in_dim3A_596 : vector<512x1xf32> to vector<512x128xf32>
    %select_n3A_598 = arith.select %lt3A_465, %broadcast_in_dim3A_595, %broadcast_in_dim3A_597 : vector<512x128xi1>, vector<512x128xf32>
    %get3A_599 = arith.constant 9 : index
    %get3A_600 = arith.constant 0 : index
    %get3A_601 = arith.constant 0 : index
    %get3A_602 = vector.load %arg1[%get3A_599, %get3A_600, %get3A_601] : memref<20x512x128xf32, #tpu.memory_space<vmem>>, vector<1x512x128xf32>
    %get3A_603 = vector.shape_cast %get3A_602 : vector<1x512x128xf32> to vector<512x128xf32>
    %mul3A_604 = arith.mulf %select_n3A_598, %get3A_603 : vector<512x128xf32>
    %add3A_605 = arith.addf %add3A_591, %mul3A_604 : vector<512x128xf32>
    %slice3A_606 = vector.extract_strided_slice %div3A_452 {offsets = [0, 10], sizes = [512, 1], strides = [1, 1]} : vector<512x20xf32> to vector<512x1xf32>
    %slice3A_607 = vector.extract_strided_slice %div3A_463 {offsets = [0, 10], sizes = [512, 1], strides = [1, 1]} : vector<512x20xf32> to vector<512x1xf32>
    %broadcast_in_dim3A_608 = vector.shape_cast %slice3A_606 : vector<512x1xf32> to vector<512x1xf32>
    %broadcast_in_dim3A_609 = vector.broadcast %broadcast_in_dim3A_608 : vector<512x1xf32> to vector<512x128xf32>
    %broadcast_in_dim3A_610 = vector.shape_cast %slice3A_607 : vector<512x1xf32> to vector<512x1xf32>
    %broadcast_in_dim3A_611 = vector.broadcast %broadcast_in_dim3A_610 : vector<512x1xf32> to vector<512x128xf32>
    %select_n3A_612 = arith.select %lt3A_465, %broadcast_in_dim3A_609, %broadcast_in_dim3A_611 : vector<512x128xi1>, vector<512x128xf32>
    %get3A_613 = arith.constant 10 : index
    %get3A_614 = arith.constant 0 : index
    %get3A_615 = arith.constant 0 : index
    %get3A_616 = vector.load %arg1[%get3A_613, %get3A_614, %get3A_615] : memref<20x512x128xf32, #tpu.memory_space<vmem>>, vector<1x512x128xf32>
    %get3A_617 = vector.shape_cast %get3A_616 : vector<1x512x128xf32> to vector<512x128xf32>
    %mul3A_618 = arith.mulf %select_n3A_612, %get3A_617 : vector<512x128xf32>
    %add3A_619 = arith.addf %add3A_605, %mul3A_618 : vector<512x128xf32>
    %slice3A_620 = vector.extract_strided_slice %div3A_452 {offsets = [0, 11], sizes = [512, 1], strides = [1, 1]} : vector<512x20xf32> to vector<512x1xf32>
    %slice3A_621 = vector.extract_strided_slice %div3A_463 {offsets = [0, 11], sizes = [512, 1], strides = [1, 1]} : vector<512x20xf32> to vector<512x1xf32>
    %broadcast_in_dim3A_622 = vector.shape_cast %slice3A_620 : vector<512x1xf32> to vector<512x1xf32>
    %broadcast_in_dim3A_623 = vector.broadcast %broadcast_in_dim3A_622 : vector<512x1xf32> to vector<512x128xf32>
    %broadcast_in_dim3A_624 = vector.shape_cast %slice3A_621 : vector<512x1xf32> to vector<512x1xf32>
    %broadcast_in_dim3A_625 = vector.broadcast %broadcast_in_dim3A_624 : vector<512x1xf32> to vector<512x128xf32>
    %select_n3A_626 = arith.select %lt3A_465, %broadcast_in_dim3A_623, %broadcast_in_dim3A_625 : vector<512x128xi1>, vector<512x128xf32>
    %get3A_627 = arith.constant 11 : index
    %get3A_628 = arith.constant 0 : index
    %get3A_629 = arith.constant 0 : index
    %get3A_630 = vector.load %arg1[%get3A_627, %get3A_628, %get3A_629] : memref<20x512x128xf32, #tpu.memory_space<vmem>>, vector<1x512x128xf32>
    %get3A_631 = vector.shape_cast %get3A_630 : vector<1x512x128xf32> to vector<512x128xf32>
    %mul3A_632 = arith.mulf %select_n3A_626, %get3A_631 : vector<512x128xf32>
    %add3A_633 = arith.addf %add3A_619, %mul3A_632 : vector<512x128xf32>
    %slice3A_634 = vector.extract_strided_slice %div3A_452 {offsets = [0, 12], sizes = [512, 1], strides = [1, 1]} : vector<512x20xf32> to vector<512x1xf32>
    %slice3A_635 = vector.extract_strided_slice %div3A_463 {offsets = [0, 12], sizes = [512, 1], strides = [1, 1]} : vector<512x20xf32> to vector<512x1xf32>
    %broadcast_in_dim3A_636 = vector.shape_cast %slice3A_634 : vector<512x1xf32> to vector<512x1xf32>
    %broadcast_in_dim3A_637 = vector.broadcast %broadcast_in_dim3A_636 : vector<512x1xf32> to vector<512x128xf32>
    %broadcast_in_dim3A_638 = vector.shape_cast %slice3A_635 : vector<512x1xf32> to vector<512x1xf32>
    %broadcast_in_dim3A_639 = vector.broadcast %broadcast_in_dim3A_638 : vector<512x1xf32> to vector<512x128xf32>
    %select_n3A_640 = arith.select %lt3A_465, %broadcast_in_dim3A_637, %broadcast_in_dim3A_639 : vector<512x128xi1>, vector<512x128xf32>
    %get3A_641 = arith.constant 12 : index
    %get3A_642 = arith.constant 0 : index
    %get3A_643 = arith.constant 0 : index
    %get3A_644 = vector.load %arg1[%get3A_641, %get3A_642, %get3A_643] : memref<20x512x128xf32, #tpu.memory_space<vmem>>, vector<1x512x128xf32>
    %get3A_645 = vector.shape_cast %get3A_644 : vector<1x512x128xf32> to vector<512x128xf32>
    %mul3A_646 = arith.mulf %select_n3A_640, %get3A_645 : vector<512x128xf32>
    %add3A_647 = arith.addf %add3A_633, %mul3A_646 : vector<512x128xf32>
    %slice3A_648 = vector.extract_strided_slice %div3A_452 {offsets = [0, 13], sizes = [512, 1], strides = [1, 1]} : vector<512x20xf32> to vector<512x1xf32>
    %slice3A_649 = vector.extract_strided_slice %div3A_463 {offsets = [0, 13], sizes = [512, 1], strides = [1, 1]} : vector<512x20xf32> to vector<512x1xf32>
    %broadcast_in_dim3A_650 = vector.shape_cast %slice3A_648 : vector<512x1xf32> to vector<512x1xf32>
    %broadcast_in_dim3A_651 = vector.broadcast %broadcast_in_dim3A_650 : vector<512x1xf32> to vector<512x128xf32>
    %broadcast_in_dim3A_652 = vector.shape_cast %slice3A_649 : vector<512x1xf32> to vector<512x1xf32>
    %broadcast_in_dim3A_653 = vector.broadcast %broadcast_in_dim3A_652 : vector<512x1xf32> to vector<512x128xf32>
    %select_n3A_654 = arith.select %lt3A_465, %broadcast_in_dim3A_651, %broadcast_in_dim3A_653 : vector<512x128xi1>, vector<512x128xf32>
    %get3A_655 = arith.constant 13 : index
    %get3A_656 = arith.constant 0 : index
    %get3A_657 = arith.constant 0 : index
    %get3A_658 = vector.load %arg1[%get3A_655, %get3A_656, %get3A_657] : memref<20x512x128xf32, #tpu.memory_space<vmem>>, vector<1x512x128xf32>
    %get3A_659 = vector.shape_cast %get3A_658 : vector<1x512x128xf32> to vector<512x128xf32>
    %mul3A_660 = arith.mulf %select_n3A_654, %get3A_659 : vector<512x128xf32>
    %add3A_661 = arith.addf %add3A_647, %mul3A_660 : vector<512x128xf32>
    %slice3A_662 = vector.extract_strided_slice %div3A_452 {offsets = [0, 14], sizes = [512, 1], strides = [1, 1]} : vector<512x20xf32> to vector<512x1xf32>
    %slice3A_663 = vector.extract_strided_slice %div3A_463 {offsets = [0, 14], sizes = [512, 1], strides = [1, 1]} : vector<512x20xf32> to vector<512x1xf32>
    %broadcast_in_dim3A_664 = vector.shape_cast %slice3A_662 : vector<512x1xf32> to vector<512x1xf32>
    %broadcast_in_dim3A_665 = vector.broadcast %broadcast_in_dim3A_664 : vector<512x1xf32> to vector<512x128xf32>
    %broadcast_in_dim3A_666 = vector.shape_cast %slice3A_663 : vector<512x1xf32> to vector<512x1xf32>
    %broadcast_in_dim3A_667 = vector.broadcast %broadcast_in_dim3A_666 : vector<512x1xf32> to vector<512x128xf32>
    %select_n3A_668 = arith.select %lt3A_465, %broadcast_in_dim3A_665, %broadcast_in_dim3A_667 : vector<512x128xi1>, vector<512x128xf32>
    %get3A_669 = arith.constant 14 : index
    %get3A_670 = arith.constant 0 : index
    %get3A_671 = arith.constant 0 : index
    %get3A_672 = vector.load %arg1[%get3A_669, %get3A_670, %get3A_671] : memref<20x512x128xf32, #tpu.memory_space<vmem>>, vector<1x512x128xf32>
    %get3A_673 = vector.shape_cast %get3A_672 : vector<1x512x128xf32> to vector<512x128xf32>
    %mul3A_674 = arith.mulf %select_n3A_668, %get3A_673 : vector<512x128xf32>
    %add3A_675 = arith.addf %add3A_661, %mul3A_674 : vector<512x128xf32>
    %slice3A_676 = vector.extract_strided_slice %div3A_452 {offsets = [0, 15], sizes = [512, 1], strides = [1, 1]} : vector<512x20xf32> to vector<512x1xf32>
    %slice3A_677 = vector.extract_strided_slice %div3A_463 {offsets = [0, 15], sizes = [512, 1], strides = [1, 1]} : vector<512x20xf32> to vector<512x1xf32>
    %broadcast_in_dim3A_678 = vector.shape_cast %slice3A_676 : vector<512x1xf32> to vector<512x1xf32>
    %broadcast_in_dim3A_679 = vector.broadcast %broadcast_in_dim3A_678 : vector<512x1xf32> to vector<512x128xf32>
    %broadcast_in_dim3A_680 = vector.shape_cast %slice3A_677 : vector<512x1xf32> to vector<512x1xf32>
    %broadcast_in_dim3A_681 = vector.broadcast %broadcast_in_dim3A_680 : vector<512x1xf32> to vector<512x128xf32>
    %select_n3A_682 = arith.select %lt3A_465, %broadcast_in_dim3A_679, %broadcast_in_dim3A_681 : vector<512x128xi1>, vector<512x128xf32>
    %get3A_683 = arith.constant 15 : index
    %get3A_684 = arith.constant 0 : index
    %get3A_685 = arith.constant 0 : index
    %get3A_686 = vector.load %arg1[%get3A_683, %get3A_684, %get3A_685] : memref<20x512x128xf32, #tpu.memory_space<vmem>>, vector<1x512x128xf32>
    %get3A_687 = vector.shape_cast %get3A_686 : vector<1x512x128xf32> to vector<512x128xf32>
    %mul3A_688 = arith.mulf %select_n3A_682, %get3A_687 : vector<512x128xf32>
    %add3A_689 = arith.addf %add3A_675, %mul3A_688 : vector<512x128xf32>
    %slice3A_690 = vector.extract_strided_slice %div3A_452 {offsets = [0, 16], sizes = [512, 1], strides = [1, 1]} : vector<512x20xf32> to vector<512x1xf32>
    %slice3A_691 = vector.extract_strided_slice %div3A_463 {offsets = [0, 16], sizes = [512, 1], strides = [1, 1]} : vector<512x20xf32> to vector<512x1xf32>
    %broadcast_in_dim3A_692 = vector.shape_cast %slice3A_690 : vector<512x1xf32> to vector<512x1xf32>
    %broadcast_in_dim3A_693 = vector.broadcast %broadcast_in_dim3A_692 : vector<512x1xf32> to vector<512x128xf32>
    %broadcast_in_dim3A_694 = vector.shape_cast %slice3A_691 : vector<512x1xf32> to vector<512x1xf32>
    %broadcast_in_dim3A_695 = vector.broadcast %broadcast_in_dim3A_694 : vector<512x1xf32> to vector<512x128xf32>
    %select_n3A_696 = arith.select %lt3A_465, %broadcast_in_dim3A_693, %broadcast_in_dim3A_695 : vector<512x128xi1>, vector<512x128xf32>
    %get3A_697 = arith.constant 16 : index
    %get3A_698 = arith.constant 0 : index
    %get3A_699 = arith.constant 0 : index
    %get3A_700 = vector.load %arg1[%get3A_697, %get3A_698, %get3A_699] : memref<20x512x128xf32, #tpu.memory_space<vmem>>, vector<1x512x128xf32>
    %get3A_701 = vector.shape_cast %get3A_700 : vector<1x512x128xf32> to vector<512x128xf32>
    %mul3A_702 = arith.mulf %select_n3A_696, %get3A_701 : vector<512x128xf32>
    %add3A_703 = arith.addf %add3A_689, %mul3A_702 : vector<512x128xf32>
    %slice3A_704 = vector.extract_strided_slice %div3A_452 {offsets = [0, 17], sizes = [512, 1], strides = [1, 1]} : vector<512x20xf32> to vector<512x1xf32>
    %slice3A_705 = vector.extract_strided_slice %div3A_463 {offsets = [0, 17], sizes = [512, 1], strides = [1, 1]} : vector<512x20xf32> to vector<512x1xf32>
    %broadcast_in_dim3A_706 = vector.shape_cast %slice3A_704 : vector<512x1xf32> to vector<512x1xf32>
    %broadcast_in_dim3A_707 = vector.broadcast %broadcast_in_dim3A_706 : vector<512x1xf32> to vector<512x128xf32>
    %broadcast_in_dim3A_708 = vector.shape_cast %slice3A_705 : vector<512x1xf32> to vector<512x1xf32>
    %broadcast_in_dim3A_709 = vector.broadcast %broadcast_in_dim3A_708 : vector<512x1xf32> to vector<512x128xf32>
    %select_n3A_710 = arith.select %lt3A_465, %broadcast_in_dim3A_707, %broadcast_in_dim3A_709 : vector<512x128xi1>, vector<512x128xf32>
    %get3A_711 = arith.constant 17 : index
    %get3A_712 = arith.constant 0 : index
    %get3A_713 = arith.constant 0 : index
    %get3A_714 = vector.load %arg1[%get3A_711, %get3A_712, %get3A_713] : memref<20x512x128xf32, #tpu.memory_space<vmem>>, vector<1x512x128xf32>
    %get3A_715 = vector.shape_cast %get3A_714 : vector<1x512x128xf32> to vector<512x128xf32>
    %mul3A_716 = arith.mulf %select_n3A_710, %get3A_715 : vector<512x128xf32>
    %add3A_717 = arith.addf %add3A_703, %mul3A_716 : vector<512x128xf32>
    %slice3A_718 = vector.extract_strided_slice %div3A_452 {offsets = [0, 18], sizes = [512, 1], strides = [1, 1]} : vector<512x20xf32> to vector<512x1xf32>
    %slice3A_719 = vector.extract_strided_slice %div3A_463 {offsets = [0, 18], sizes = [512, 1], strides = [1, 1]} : vector<512x20xf32> to vector<512x1xf32>
    %broadcast_in_dim3A_720 = vector.shape_cast %slice3A_718 : vector<512x1xf32> to vector<512x1xf32>
    %broadcast_in_dim3A_721 = vector.broadcast %broadcast_in_dim3A_720 : vector<512x1xf32> to vector<512x128xf32>
    %broadcast_in_dim3A_722 = vector.shape_cast %slice3A_719 : vector<512x1xf32> to vector<512x1xf32>
    %broadcast_in_dim3A_723 = vector.broadcast %broadcast_in_dim3A_722 : vector<512x1xf32> to vector<512x128xf32>
    %select_n3A_724 = arith.select %lt3A_465, %broadcast_in_dim3A_721, %broadcast_in_dim3A_723 : vector<512x128xi1>, vector<512x128xf32>
    %get3A_725 = arith.constant 18 : index
    %get3A_726 = arith.constant 0 : index
    %get3A_727 = arith.constant 0 : index
    %get3A_728 = vector.load %arg1[%get3A_725, %get3A_726, %get3A_727] : memref<20x512x128xf32, #tpu.memory_space<vmem>>, vector<1x512x128xf32>
    %get3A_729 = vector.shape_cast %get3A_728 : vector<1x512x128xf32> to vector<512x128xf32>
    %mul3A_730 = arith.mulf %select_n3A_724, %get3A_729 : vector<512x128xf32>
    %add3A_731 = arith.addf %add3A_717, %mul3A_730 : vector<512x128xf32>
    %slice3A_732 = vector.extract_strided_slice %div3A_452 {offsets = [0, 19], sizes = [512, 1], strides = [1, 1]} : vector<512x20xf32> to vector<512x1xf32>
    %slice3A_733 = vector.extract_strided_slice %div3A_463 {offsets = [0, 19], sizes = [512, 1], strides = [1, 1]} : vector<512x20xf32> to vector<512x1xf32>
    %broadcast_in_dim3A_734 = vector.shape_cast %slice3A_732 : vector<512x1xf32> to vector<512x1xf32>
    %broadcast_in_dim3A_735 = vector.broadcast %broadcast_in_dim3A_734 : vector<512x1xf32> to vector<512x128xf32>
    %broadcast_in_dim3A_736 = vector.shape_cast %slice3A_733 : vector<512x1xf32> to vector<512x1xf32>
    %broadcast_in_dim3A_737 = vector.broadcast %broadcast_in_dim3A_736 : vector<512x1xf32> to vector<512x128xf32>
    %select_n3A_738 = arith.select %lt3A_465, %broadcast_in_dim3A_735, %broadcast_in_dim3A_737 : vector<512x128xi1>, vector<512x128xf32>
    %get3A_739 = arith.constant 19 : index
    %get3A_740 = arith.constant 0 : index
    %get3A_741 = arith.constant 0 : index
    %get3A_742 = vector.load %arg1[%get3A_739, %get3A_740, %get3A_741] : memref<20x512x128xf32, #tpu.memory_space<vmem>>, vector<1x512x128xf32>
    %get3A_743 = vector.shape_cast %get3A_742 : vector<1x512x128xf32> to vector<512x128xf32>
    %mul3A_744 = arith.mulf %select_n3A_738, %get3A_743 : vector<512x128xf32>
    %add3A_745 = arith.addf %add3A_731, %mul3A_744 : vector<512x128xf32>
    %swap3A_746 = arith.constant 0 : index
    %swap3A_747 = arith.constant 0 : index
    %swap3A_748 = vector.load %arg5[%swap3A_746, %swap3A_747] : memref<512x128xf32, #tpu.memory_space<vmem>>, vector<512x128xf32>
    tpu.vector_store %arg5[%swap3A_746, %swap3A_747], %add3A_745 {strides = array<i32>} : memref<512x128xf32, #tpu.memory_space<vmem>>, vector<512x128xf32>,
    return
  }
  func.func @transform_0(%arg0: i32) -> (i32, i32, i32) {
    %c0_i32 = arith.constant 0 : i32
    %c0_i32_0 = arith.constant 0 : i32
    %c0_i32_1 = arith.constant 0 : i32
    return %c0_i32, %arg0, %c0_i32_0 : i32, i32, i32
  }
  func.func @transform_1(%arg0: i32) -> (i32, i32) {
    %c0_i32 = arith.constant 0 : i32
    %c0_i32_0 = arith.constant 0 : i32
    %c0_i32_1 = arith.constant 0 : i32
    return %c0_i32, %c0_i32_0 : i32, i32
  }
  func.func @transform_2(%arg0: i32) -> (i32, i32) {
    %c0_i32 = arith.constant 0 : i32
    %c0_i32_0 = arith.constant 0 : i32
    %c0_i32_1 = arith.constant 0 : i32
    return %c0_i32, %c0_i32_0 : i32, i32
  }
  func.func @transform_3(%arg0: i32) -> (i32, i32) {
    %c0_i32 = arith.constant 0 : i32
    %c0_i32_0 = arith.constant 0 : i32
    %c0_i32_1 = arith.constant 0 : i32
    return %c0_i32, %c0_i32_0 : i32, i32
  }
  func.func @transform_4(%arg0: i32) -> (i32, i32) {
    %c0_i32 = arith.constant 0 : i32
    %c0_i32_0 = arith.constant 0 : i32
    return %arg0, %c0_i32 : i32, i32
  }
}

</mosaic_0001>

<sc_bundles>
// kernel: kernel.4.cloned.1.call-start
scs
__scs_entry_jumppad:
0x0: {  	(pc) =	sbr.rel $0x88, $3  }
0x1: {  	(tag) =	ssettag $0x0;
	lr =	simm.s32 $0x1  }
0x2: {  	[smem:$0x3F9C] =	sst lr;
	_ =	strace $0xD0000000  }
0x3: {  	_ = 	snop  }
0x4: {  	_ = 	snop  }
0x5: {  	_ = 	snop  }
0x6: {  	_ = 	snop  }
0x7: {  	_ = 	snop  }
__scs_overlays_trampoline_lowered:
0x8: {  	[smem:$0x3FAB] =	sst s0  }
0x9: {  	[smem:$0x3FAC] =	sst s1  }
0xa: {  	[smem:$0x3FAD] =	sst s2  }
0xb: {  	[smem:$0x3FAE] =	sst s3  }
0xc: {  	[smem:$0x3FAF] =	sst s4  }
0xd: {  	[smem:$0x3FB0] =	sst s5  }
0xe: {  	[smem:$0x3FB1] =	sst s6  }
0xf: {  	[smem:$0x3FB2] =	sst s7  }
0x10: {  	[smem:$0x3FB3] =	sst s8  }
0x11: {  	[smem:$0x3FB4] =	sst s9;
	s0 =	simm.s32 @!p0 $0x0  }
0x12: {  	s1 =	sld [smem:$0x3F9A];
	s0 =	simm.s32 @p0 $0x1  }
0x13: {  	[smem:$0x3FB5] =	sst s0;
	s0 =	simm.s32 @!p1 $0x0  }
0x14: {  	s2 =	sld [smem:$0x3F99];
	s0 =	simm.s32 @p1 $0x1  }
0x15: {  	[smem:$0x3FB6] =	sst s0;
	s0 =	simm.s32 @!p2 $0x0  }
0x16: {  	s3 =	sld [smem:$0x3FDB];
	s0 =	simm.s32 @p2 $0x1  }
0x17: {  	s4 =	simm.s32 $0x1BF5;
	[smem:$0x3FB8] =	sst s0  }
0x18: {  	s0 =	sld [smem:$0x3F9B];
	_ =	swait.ge [sflag:s4], $0x0  }
0x19: {  	s7 =	sld [smem:$0x3F9C]  }
0x1a: {  	s8 =	sadd.s32 $0xFFFFE003, lr  }
0x1b: {  	s9 =	sadd.s32 $0xFFFFFEF7, lr;
	s5 =	simm.s32 $0xFFFFFFFF;
	p2 =	slt.u32 s8, $0xFFFFF086  }
0x1c: {  	p1 =	slt.u32 s9, $0xF7A;
	s5 =	simm.s32 @!p2 $0x0  }
0x1d: {  	s5 =	simm.s32 @p1 $0x1;
	p0 =	seq.s32 s7, s2  }
0x1e: {  	s7 =	smul.u32 @!p0 $0xF7A, s2;
	p2 =	seq.s32 @!p0 s5, $0x0  }
0x1f: {  	s9 =	smul.u32 $0xF7A, s1;
	s8 =	simm.s32 @!p0 $0x1BF5;
	p2 =	por !p2, p0  }
0x20: {  	[sflag:s8] =	ssyncset.s32 @!p0 $0xFFFFF086;
	s6 =	sadd.s32 @!p0 s3, s7;
	s7 =	simm.s32 @!p0 $0x108  }
0x21: {  	s3 =	sadd.s32 s3, s9;
	s6 =	sadd.s32 @!p0 $0x88, s6;
	s7 =	simm.s32 @p2 $0x1082  }
0x22: {  	[simem:s7], [sflag:s8] =	dma.local @!p0 [hbm:s6], $0xF7A  }
0x23: {  	s9 =	sor.u32 $0xD0000000, s2;
	s6 =	simm.s32 $0x108;
	_ =	swait.ge @!p0 [sflag:s8], $0x0  }
0x24: {  	s3 =	sadd.s32 $0x88, s3;
	s6 =	simm.s32 @!p1 $0x1082;
	[sflag:s4] =	ssyncset.s32 $0xFFFFF086  }
0x25: {  	[simem:s6], [sflag:s4] =	dma.local [hbm:s3], $0xF7A  }
0x26: {  	[smem:$0x3F9C] =	sst s1;
	(tag) =	ssettag s2;
	_ =	strace s9  }
0x27: {  	s1 =	sld [smem:$0x3FAC]  }
0x28: {  	s2 =	sld [smem:$0x3FAD]  }
0x29: {  	s4 =	sld [smem:$0x3FAF]  }
0x2a: {  	p0 =	seq.s32 s5, $0x0;
	s5 =	sld [smem:$0x3FB0]  }
0x2b: {  	s6 =	sld [smem:$0x3FB1]  }
0x2c: {  	s7 =	sld [smem:$0x3FB2]  }
0x2d: {  	s3 =	simm.s32 $0x108;
	s8 =	sld [smem:$0x3FB3]  }
0x2e: {  	s3 =	simm.s32 @!p0 $0x1082;
	s9 =	sld [smem:$0x3FB4]  }
0x2f: {  	lr =	sadd.s32 s0, s3;
	s0 =	sld [smem:$0x3FAB]  }
0x30: {  	s3 =	sld [smem:$0x3FAE]  }
0x31: {  	[smem:$0x3FB7] =	sst s10  }
0x32: {  	s10 =	sld [smem:$0x3FB5];
	_ =	sdelay $0x3  }
0x33: {  	p0 =	seq.s32 s10, $0x1;
	s10 =	sld [smem:$0x3FB7];
	_ =	sdelay $0x3  }
0x34: {  	[smem:$0x3FB7] =	sst s10  }
0x35: {  	s10 =	sld [smem:$0x3FB6];
	_ =	sdelay $0x3  }
0x36: {  	p1 =	seq.s32 s10, $0x1;
	s10 =	sld [smem:$0x3FB7];
	_ =	sdelay $0x3  }
0x37: {  	[smem:$0x3FB7] =	sst s10  }
0x38: {  	s10 =	sld [smem:$0x3FB8]  }
0x39: {  	_ = 	snop;
	(pc) =	sbr.ind lr, $3  }
0x3a: {  	_ = 	snop  }
0x3b: {  	_ = 	snop  }
0x3c: {  	p2 =	seq.s32 s10, $0x1;
	s10 =	sld [smem:$0x3FB7]  }
0x3d: {  	_ =	shalt  }
0x3e: {  	_ =	shalt  }
0x3f: {  	_ =	shalt  }
0x40: {  	_ =	shalt  }
0x41: {  	_ =	shalt  }
0x42: {  	_ =	shalt  }
0x43: {  	_ =	shalt  }
0x44: {  	_ =	shalt  }
0x45: {  	_ =	shalt  }
0x46: {  	_ =	shalt  }
0x47: {  	_ =	shalt  }
0x48: {  	_ =	shalt  }
0x49: {  	_ =	shalt  }
0x4a: {  	_ =	shalt  }
0x4b: {  	_ =	shalt  }
0x4c: {  	_ =	shalt  }
0x4d: {  	_ =	shalt  }
0x4e: {  	_ =	shalt  }
0x4f: {  	_ =	shalt  }
0x50: {  	_ =	shalt  }
0x51: {  	_ =	shalt  }
0x52: {  	_ =	shalt  }
0x53: {  	_ =	shalt  }
0x54: {  	_ =	shalt  }
0x55: {  	_ =	shalt  }
0x56: {  	_ =	shalt  }
0x57: {  	_ =	shalt  }
0x58: {  	_ =	shalt  }
0x59: {  	_ =	shalt  }
0x5a: {  	_ =	shalt  }
0x5b: {  	_ =	shalt  }
0x5c: {  	_ =	shalt  }
0x5d: {  	_ =	shalt  }
0x5e: {  	_ =	shalt  }
0x5f: {  	_ =	shalt  }
0x60: {  	_ =	shalt  }
0x61: {  	_ =	shalt  }
0x62: {  	_ =	shalt  }
0x63: {  	_ =	shalt  }
0x64: {  	_ =	shalt  }
0x65: {  	_ =	shalt  }
0x66: {  	_ =	shalt  }
0x67: {  	_ =	shalt  }
0x68: {  	_ =	shalt  }
0x69: {  	_ =	shalt  }
0x6a: {  	_ =	shalt  }
0x6b: {  	_ =	shalt  }
0x6c: {  	_ =	shalt  }
0x6d: {  	_ =	shalt  }
0x6e: {  	_ =	shalt  }
0x6f: {  	_ =	shalt  }
0x70: {  	_ =	shalt  }
0x71: {  	_ =	shalt  }
0x72: {  	_ =	shalt  }
0x73: {  	_ =	shalt  }
0x74: {  	_ =	shalt  }
0x75: {  	_ =	shalt  }
0x76: {  	_ =	shalt  }
0x77: {  	_ =	shalt  }
0x78: {  	_ =	shalt  }
0x79: {  	_ =	shalt  }
0x7a: {  	_ =	shalt  }
0x7b: {  	_ =	shalt  }
0x7c: {  	_ =	shalt  }
0x7d: {  	_ =	shalt  }
0x7e: {  	_ =	shalt  }
0x7f: {  	_ =	shalt  }
0x80: {  	_ =	shalt  }
0x81: {  	_ =	shalt  }
0x82: {  	_ =	shalt  }
0x83: {  	_ =	shalt  }
0x84: {  	_ =	shalt  }
0x85: {  	_ =	shalt  }
0x86: {  	_ =	shalt  }
0x87: {  	_ =	shalt  }
.Lfunc_end0:
.L_simem_size_0:
called_computation_lowered:
.L_overlay_start_0:
0x88: {  	s2 =	sld [smem:$0x3FD9]  }
0x89: {  	s3 =	sld [smem:$0x3FFE];
	_ =	sdelay $0x1  }
0x8a: {  	s1 =	srdreg.scid  }
0x8b: {  	s0 =	sand.u32 $0x1, s1  }
0x8c: {  	s17 =	sshll.u32 s0, $0xA;
	s2 =	sadd.s32 s3, s2  }
0x8d: {  	s2 =	sadd.s32 s2, s17  }
0x8e: {  	[smem:$0x3FC3] =	sst s2  }
0x8f: {  	_ = 	snop  }
0x90: {  	s2 =	sld [smem:$0x3FD0];
	(tm) =	ssettm $0x1  }
0x91: {  	s18 =	sld [smem:$0x3FFB];
	_ =	sdelay $0x3  }
0x92: {  	_ =	strace s18  }
0x93: {  	s3 =	sld [smem:$0x3FFC];
	_ =	sdelay $0x3  }
0x94: {  	_ =	strace s3  }
0x95: {  	s3 =	sld [smem:$0x3FFD];
	_ =	sdelay $0x3  }
0x96: {  	_ =	strace s3  }
0x97: {  	_ =	strace $0x8FFFFFFF  }
0x98: {  	s19 =	sld [smem:$0x3FDB];
	_ =	sdelay $0x1  }
0x99: {  	s4 =	simm.s32 $_scs_section_size  }
0x9a: {  	s5 =	simm.s32 $_size__tile_overlayer_lowered;
	s6 =	simm.s32 $_tile_overlayer_lowered  }
0x9b: {  	s22 =	simm.s32 $0x1BFF;
	s21 =	sshll.u32 s6, $0x1;
	s3 =	sadd.s32 s4, s19  }
0x9c: {  	s7 =	simm.s32 $0x0;
	s20 =	sshll.u32 s5, $0x1;
	s5 =	sadd.s32 s21, s3  }
0x9d: {  	[timem:s7], [sflag:s22] =	dma.local [hbm:s5], s20  }
0x9e: {  	_ =	swait.ge [sflag:s22], s20  }
0x9f: {  	s4 =	ssub.s32 $0x0, s20;
	[sflag:s22] =	ssyncset.done $0x0  }
0xa0: {  	[sflag:s22] =	ssyncadd.s32 s4;
	_ =	sdelay $0x1  }
0xa1: {  	s23 =	simm.s32 $0x1B8B  }
0xa2: {  	_ =	swait.ge [sflag:s23], $0x1  }
0xa3: {  	[sflag:s23] =	ssyncset.done $0x0  }
0xa4: {  	s25 =	simm.s32 $0x1B8E;
	s24 =	sld [smem:$0x3FFE];
	[sflag:s23] =	ssyncadd.s32 $0xFFFFFFFF  }
0xa5: {  	s26 =	simm.s32 $execute0_lowered;
	[smem:$0x3FD2] =	sst s25  }
0xa6: {  	s5 =	sshll.u32 s26, $0x1;
	_ =	strace $0x80000046;
	[dreg:$0x1] =	wrdreg $0xFFFFFFFF  }
0xa7: {  	s28 =	simm.s32 $_size_execute0_lowered;
	s3 =	sadd.s32 s3, s5;
	[dreg:$0x0] =	wrdreg $0x0  }
0xa8: {  	s5 =	sshll.u32 s28, $0x1;
	[dreg:$0x2] =	wrdreg s3  }
0xa9: {  	[dreg:$0x3] =	wrdreg s5  }
0xaa: {  	[dreg:$0x4] =	wrdreg $0xC0  }
0xab: {  	_ =	task [dreg:s7], $0x5FFFF  }
0xac: {  	[dreg:$0x1] =	wrdreg $0xFFFFFFFF  }
0xad: {  	[dreg:$0x0] =	wrdreg $0x60  }
0xae: {  	[dreg:$0x2] =	wrdreg s2  }
0xaf: {  	[dreg:$0x3] =	wrdreg s24  }
0xb0: {  	[dreg:$0x4] =	wrdreg $0x9  }
0xb1: {  	_ =	task.clear_ibuf [dreg:s7], $0x5FFFF;
	_ =	strace $0x90000046  }
0xb2: {  	s29 =	simm.s32 $0x9;
	_ =	strace $0x80000048  }
0xb3: {  	_ =	swait.ge [sflag:s29], $0x1  }
0xb4: {  	[sflag:s29] =	ssyncadd.s32 $0xFFFFFFFF  }
0xb5: {  	_ =	strace $0x90000048  }
0xb6: {  	_ =	sfence  }
0xb7: {  	s30 =	sld [smem:$0x0];
	_ =	sdelay $0x2  }
0xb8: {  	s31 =	sshll.u32 s1, $0xD;
	s1 =	sshrl.u32 s1, $0x2  }
0xb9: {  	s3 =	sand.u32 $0x4000, s31;
	s1 =	sadd.s32 s1, s30  }
0xba: {  	s0 =	sor.u32 s3, s0;
	s1 =	sshll.u32 s1, $0x11  }
0xbb: {  	s0 =	sor.u32 s1, s0  }
0xbc: {  	s0 =	sadd.s32 $0x8F2B, s0  }
0xbd: {  	[sflag:s0] =	ssyncadd.remote.s32 $0x1  }
0xbe: {  	_ =	sfence.sel $0xFFFF  }
0xbf: {  	[dreg:$0x0] =	wrdreg $0xFFFFFFFF;
	(pc) =	sbr.abs _section_cstart, $3  }
0xc0: {  	[dreg:$0x1] =	wrdreg $0xFFFFFFFF  }
0xc1: {  	_ =	task.clear_ibuf [dreg:s7], $0x2FFFF;
	_ =	strace $0x9FFFFFFF  }
0xc2: {  	(tm) =	ssettm $0x7FFFFFFF  }
0xc3: {  	_ =	shalt  }
tec
execute0_lowered:
.L_overlay_start_1:
0x0: {  	(tag) =	ssettag $0x1  }
0x1: {  	s1 =	srdreg.scid  }
0x2: {  	s0 =	stileid.u32;
	s4 =	rddreg [dreg:$0x0]  }
0x3: {  	s5 =	rddreg [dreg:$0x1];
	s2 =	simm.s32 $0x0;
	s13 =	simm.s32 $0x1  }
0x4: {  	s14 =	simm.s32 $0x80;
	s15 =	simm.s32 $0x4800;
	s16 =	simm.s32 $0x5800  }
0x5: {  	s17 =	simm.s32 $0x0;
	s3 =	sand.u32 $0x1, s1;
	s1 =	rddreg [dreg:$0x2]  }
0x6: {  	s28 =	sshll.u32 s0, $0x1;
	[smem:$0x7FF] =	sst s2;
	s8 =	smul.u32 $0x140000, s0  }
0x7: {  	s30 =	sadd.s32 $0x24AE08, s5;
	s6 =	sor.u32 s3, s28;
	s10 =	smul.u32 $0xA0000, s3  }
0x8: {  	_ =	strace $0x80000047;
	s9 =	ssub.s32 $0x2, s3;
	s7 =	smul.u32 $0xA0000, s6  }
0x9: {  	s3 =	sadd.s32 $0x187800, s5;
	s6 =	smul.u32 $0x500, s6;
	s12 =	sshrl.u32 s9, $0x1  }
0xa: {  	s9 =	ssub.s32 s9, s12;
	s29 =	sadd.s32 s10, s8;
	s10 =	simm.s32 $0x40  }
0xb: {  	s12 =	simm.s32 $0x3800;
	s7 =	sshrl.u32 s7, $0x3;
	s31 =	sshrl.u32 s29, $0x3  }
0xc: {  	s4 =	sadd.s32 s4, s6;
	s7 =	sadd.s32 $0x13C00, s7;
	s8 =	sadd.s32 s31, s30  }
0xd: {  	s11 =	sadd.s32 s7, s5;
	s5 =	smax.u32 s9, $0x1;
	s7 =	sadd.s32 s7, s30  }
0xe: {  	s9 =	simm.s32 $0x2;
	s6 =	sadd.s32 $0x24AE00, s11;
	s11 =	simm.s32 $0x2800  }
.LBB2_1:
0xf: {  	[tilespmem:s2], [sflag:$0x2] =	stream.linear.gather [hbm4b:s4+s2], $0x2800, $0x38;
	[tilespmem:$0x6800] =	vst v63  }
0x10: {  	_ =	swait.ge [sflag:s9], $0x2800  }
0x11: {  	[sflag:s9] =	ssyncset.done $0x0  }
0x12: {  	s18 =	simm.s32 $0x2000;
	[sflag:s9] =	ssyncadd.s32 $0xFFFFD800  }
0x13: {  	[tilespmem:s11], [sflag:$0x1] =	stream.indirect.gather [hbm4b:s3+s10], $0x40, s2, s10, $0xb8;
	[tilespmem:$0x6800] =	vst v63  }
0x14: {  	s18 =	sand.u32 $0x2000, s18  }
0x15: {  	[tilespmem:s12], [sflag:$0x1] =	stream.indirect.gather [hbm4b:s3+s10], $0x40, s10, s10, $0xb8;
	[tilespmem:$0x6800] =	vst v63  }
0x16: {  	s19 =	sadd.s32 $0x2800, s18  }
0x17: {  	[tilespmem:s19], [sflag:$0x1] =	stream.indirect.gather [hbm4b:s3+s10], $0x40, s14, s10, $0xb8;
	[tilespmem:$0x6800] =	vst v63  }
0x18: {  	s28 =	simm.s32 $0xC0;
	s18 =	sadd.s32 $0x3800, s18  }
0x19: {  	[tilespmem:s18], [sflag:$0x1] =	stream.indirect.gather [hbm4b:s3+s10], $0x40, s28, s10, $0xb8;
	[tilespmem:$0x6800] =	vst v63  }
0x1a: {  	_ =	swait.ge [sflag:s13], $0x1000  }
0x1b: {  	[sflag:s13] =	ssyncset.done $0x0  }
0x1c: {  	s29 =	simm.s32 $0x0;
	[sflag:s13] =	ssyncadd.s32 $0xFFFFF000  }
0x1d: {  	s18 =	sand.u32 $0x8000, s29;
	_ =	swait.ge [sflag:s13], $0x1000  }
0x1e: {  	s18 =	sshrl.u32 s18, $0x2;
	[sflag:s13] =	ssyncset.done $0x0  }
0x1f: {  	s20 =	sadd.s32 $0xFFFFFFF8, s8;
	s30 =	sadd.s32 $0x2800, s18;
	[sflag:s13] =	ssyncadd.s32 $0xFFFFF000  }
0x20: {  	[hbm4b:s20+s10] =	stream.strided.scatter [tilespmem:s30], [sflag:$0x2], $0x1000, s14, s10, $0x38;
	[tilespmem:$0x6800] =	vst v63  }
0x21: {  	_ =	swait.ge [sflag:s9], $0x1000  }
0x22: {  	s22 =	simm.s32 $0x18000;
	[sflag:s9] =	ssyncset.done $0x0  }
0x23: {  	s31 =	simm.s32 $0x4000;
	s18 =	sadd.s32 $0x3800, s18;
	[sflag:s9] =	ssyncadd.s32 $0xFFFFF000  }
0x24: {  	[hbm4b:s8+s10] =	stream.strided.scatter [tilespmem:s18], [sflag:$0x2], $0x1000, s14, s10, $0x38;
	[tilespmem:$0x6800] =	vst v63  }
0x25: {  	s21 =	sand.u32 $0x2000, s31;
	s19 =	simm.s32 $0x10000;
	_ =	swait.ge [sflag:s9], $0x1000  }
0x26: {  	s20 =	simm.s32 $0x100;
	s18 =	sadd.s32 $0x400, s8;
	[sflag:s9] =	ssyncset.done $0x0  }
.LBB2_2:
0x27: {  	s23 =	sadd.s32 $0x2800, s21  }
0x28: {  	[sflag:s9] =	ssyncadd.s32 $0xFFFFF000;
	s24 =	smov.u32 s22;
	s25 =	sadd.s32 $0x8000, s22  }
0x29: {  	[tilespmem:s23], [sflag:$0x1] =	stream.indirect.gather [hbm4b:s3+s10], $0x40, s20, s10, $0xb8;
	[tilespmem:$0x6800] =	vst v63  }
0x2a: {  	p0 =	sne.s32 s22, $0x278000;
	s21 =	sadd.s32 $0x3800, s21;
	s22 =	sadd.s32 $0x40, s20  }
0x2b: {  	[tilespmem:s21], [sflag:$0x1] =	stream.indirect.gather [hbm4b:s3+s10], $0x40, s22, s10, $0xb8;
	[tilespmem:$0x6800] =	vst v63  }
0x2c: {  	_ =	swait.ge [sflag:s13], $0x1000  }
0x2d: {  	[sflag:s13] =	ssyncset.done $0x0  }
0x2e: {  	s21 =	sadd.s32 $0xFFFF8000, s19;
	s19 =	smov.u32 s24;
	[sflag:s13] =	ssyncadd.s32 $0xFFFFF000  }
0x2f: {  	s21 =	sand.u32 $0x8000, s21;
	_ =	swait.ge [sflag:s13], $0x1000  }
0x30: {  	s21 =	sshrl.u32 s21, $0x2;
	[sflag:s13] =	ssyncset.done $0x0  }
0x31: {  	s23 =	sadd.s32 $0xFFFFFFF8, s18;
	s22 =	sadd.s32 $0x2800, s21;
	[sflag:s13] =	ssyncadd.s32 $0xFFFFF000  }
0x32: {  	[hbm4b:s23+s10] =	stream.strided.scatter [tilespmem:s22], [sflag:$0x2], $0x1000, s14, s10, $0x38;
	[tilespmem:$0x6800] =	vst v63  }
0x33: {  	_ =	swait.ge [sflag:s9], $0x1000  }
.Ltmp0:
0x34: {  	[sflag:s9] =	ssyncset.done $0x0;
	(pc) =	sbr.rel @p0 .LBB2_2-.Ltmp0, $4  }
0x35: {  	s20 =	sadd.s32 $0x80, s20;
	s21 =	sadd.s32 $0x3800, s21;
	[sflag:s9] =	ssyncadd.s32 $0xFFFFF000  }
0x36: {  	[hbm4b:s18+s10] =	stream.strided.scatter [tilespmem:s21], [sflag:$0x2], $0x1000, s14, s10, $0x38;
	[tilespmem:$0x6800] =	vst v63  }
0x37: {  	s22 =	smov.u32 s25;
	s21 =	sshrl.u32 s19, $0x2;
	_ =	swait.ge [sflag:s9], $0x1000  }
0x38: {  	s18 =	sadd.s32 $0x400, s18;
	s21 =	sand.u32 $0x2000, s21;
	[sflag:s9] =	ssyncset.done $0x0  }
0x39: {  	s22 =	sadd.s32 $0x2800, s21;
	[sflag:s9] =	ssyncadd.s32 $0xFFFFF000  }
0x3a: {  	[tilespmem:s22], [sflag:$0x1] =	stream.indirect.gather [hbm4b:s3+s10], $0x40, s20, s10, $0xb8;
	[tilespmem:$0x6800] =	vst v63  }
0x3b: {  	s28 =	sadd.s32 $0x3800, s21;
	s29 =	sadd.s32 $0x40, s20  }
0x3c: {  	[tilespmem:s28], [sflag:$0x1] =	stream.indirect.gather [hbm4b:s3+s10], $0x40, s29, s10, $0xb8;
	[tilespmem:$0x6800] =	vst v63  }
0x3d: {  	_ =	swait.ge [sflag:s13], $0x1000  }
0x3e: {  	[sflag:s13] =	ssyncset.done $0x0  }
0x3f: {  	s19 =	sadd.s32 $0xFFFF8000, s19;
	[sflag:s13] =	ssyncadd.s32 $0xFFFFF000  }
0x40: {  	s19 =	sand.u32 $0x8000, s19;
	_ =	swait.ge [sflag:s13], $0x1000  }
0x41: {  	s19 =	sshrl.u32 s19, $0x2;
	[sflag:s13] =	ssyncset.done $0x0  }
0x42: {  	s31 =	sadd.s32 $0xFFFFFFF8, s18;
	s30 =	sadd.s32 $0x2800, s19;
	[sflag:s13] =	ssyncadd.s32 $0xFFFFF000  }
0x43: {  	[hbm4b:s31+s10] =	stream.strided.scatter [tilespmem:s30], [sflag:$0x2], $0x1000, s14, s10, $0x38;
	[tilespmem:$0x6800] =	vst v63  }
0x44: {  	_ =	swait.ge [sflag:s9], $0x1000  }
0x45: {  	[sflag:s9] =	ssyncset.done $0x0  }
0x46: {  	s19 =	sadd.s32 $0x3800, s19;
	[sflag:s9] =	ssyncadd.s32 $0xFFFFF000  }
0x47: {  	[hbm4b:s18+s10] =	stream.strided.scatter [tilespmem:s19], [sflag:$0x2], $0x1000, s14, s10, $0x38;
	[tilespmem:$0x6800] =	vst v63  }
0x48: {  	_ =	swait.ge [sflag:s9], $0x1000  }
0x49: {  	[sflag:s9] =	ssyncset.done $0x0  }
0x4a: {  	[sflag:s9] =	ssyncadd.s32 $0xFFFFF000  }
0x4b: {  	_ =	swait.ge [sflag:s13], $0x1000  }
0x4c: {  	[sflag:s13] =	ssyncset.done $0x0  }
0x4d: {  	[sflag:s13] =	ssyncadd.s32 $0xFFFFF000  }
0x4e: {  	_ =	swait.ge [sflag:s13], $0x1000  }
0x4f: {  	[sflag:s13] =	ssyncset.done $0x0  }
0x50: {  	[sflag:s13] =	ssyncadd.s32 $0xFFFFF000  }
0x51: {  	[hbm4b:s6+s10] =	stream.strided.scatter [tilespmem:s15], [sflag:$0x2], $0x1000, s14, s10, $0x38;
	[tilespmem:$0x6800] =	vst v63  }
0x52: {  	s17 =	sadd.s32 $0x1, s17;
	_ =	swait.ge [sflag:s9], $0x1000  }
0x53: {  	p0 =	sne.s32 s17, s5;
	[sflag:s9] =	ssyncset.done $0x0  }
.Ltmp1:
0x54: {  	[sflag:s9] =	ssyncadd.s32 $0xFFFFF000;
	(pc) =	sbr.rel @p0 .LBB2_1-.Ltmp1, $4  }
0x55: {  	[hbm4b:s7+s10] =	stream.strided.scatter [tilespmem:s16], [sflag:$0x2], $0x1000, s14, s10, $0x38;
	[tilespmem:$0x6800] =	vst v63  }
0x56: {  	_ =	swait.ge [sflag:s9], $0x1000  }
0x57: {  	[sflag:s9] =	ssyncset.done $0x0  }
0x58: {  	[sflag:s9] =	ssyncadd.s32 $0xFFFFF000  }
0x59: {  	_ =	sfence.sel $0x180000  }
0x5a: {  	[bflag:$0x0] =	sbarrier.arrive $0xFFFF  }
0x5b: {  	p0 =	sne.s32 s0, $0x0;
	_ =	strace $0x90000047  }
0x5c: {  	s0 =	sadd.s32 @!p0 $0x100000, s1;
	[bflag:$0x2] =	sbarrier.arrive $0xFFFF  }
0x5d: {  	[sflag:s0] =	ssyncadd.tile.s32 @!p0 $0x1;
	_ =	shalt  }
.Lfunc_end2:
_tile_overlayer_lowered:
.L_overlay_start_2:
0x5e: {  	(tag) =	ssettag $0x2  }
0x5f: {  	s0 =	rddreg [dreg:$0x0];
	s2 =	stileid.u32  }
0x60: {  	s1 =	rddreg [dreg:$0x1];
	p0 =	sne.s32 s2, $0x0  }
0x61: {  	s3 =	rddreg [dreg:$0x2];
	[bflag:$0x3] =	sbarrier.arrive $0xFFFF;
	s2 =	simm.s32 @!p0 $0x1C02  }
0x62: {  	[timem:s3], [sflag:s2] =	dma.local @!p0 [hbm:s0], s1  }
0x63: {  	s0 =	simm.s32 @!p0 $0x2  }
0x64: {  	_ =	swait.ge @!p0 [sflag:s0], s1  }
0x65: {  	s1 =	ssub.s32 @!p0 $0x0, s1;
	[sflag:s0] =	ssyncset.done @!p0 $0x0  }
0x66: {  	[sflag:s0] =	ssyncadd.s32 @!p0 s1  }
0x67: {  	[bflag:$0x3] =	sbarrier.arrive $0xFFFF  }
0x68: {  	_ =	shalt  }

</sc_bundles>
